<compile_context>
chip_gen: v7x
topology: tpu7x:2x2x1
jax: 0.10.2.dev20260603
libtpu: 0.0.44.dev20260713+nightly
codegen_flags: <defaults>
</compile_context>

<pallas_src>
import jax
import jax.numpy as jnp
from jax import lax
from jax.experimental import pallas as pl
from jax.experimental.pallas import tpu as pltpu
from jax.experimental.pallas import tpu_sc as plsc

N = 10000
D = 128
B = 1024
M = 64
H = 32
NPAD = 10008

NC, NS = 2, 16
NW = NC * NS
BM = B * M
BP = B * 2
NB_W = BM // NW
NCHUNK = 8
CROWS = NB_W // NCHUNK
PB_W = BP // NW

QB = 128
RB = QB * M


def _gather_rows(table, nidx_hbm, out_n, wid, idxvs, nbufs, semgs, semws):
    rows_w = out_n.shape[0] // NW
    nchunk = rows_w // CROWS
    cpg = [None, None]
    cpw = [None, None]
    pltpu.sync_copy(nidx_hbm.at[pl.ds(wid * rows_w, CROWS)], idxvs[0])
    cpg[0] = pltpu.async_copy(table.at[idxvs[0]], nbufs[0], semgs[0])
    for c in range(nchunk):
        cur = c % 2
        nxt = (c + 1) % 2
        if c + 1 < nchunk:
            pltpu.sync_copy(
                nidx_hbm.at[pl.ds(wid * rows_w + (c + 1) * CROWS, CROWS)],
                idxvs[nxt])
            if cpw[nxt] is not None:
                cpw[nxt].wait()
            cpg[nxt] = pltpu.async_copy(
                table.at[idxvs[nxt]], nbufs[nxt], semgs[nxt])
        cpg[cur].wait()
        cpw[cur] = pltpu.async_copy(
            nbufs[cur], out_n.at[pl.ds(wid * rows_w + c * CROWS, CROWS)],
            semws[cur])
    cpw[0].wait()
    cpw[1].wait()


def _sc_gather_a(t2_hbm, emb_hbm, nidx_hbm, didx_hbm, out_n, out_p,
                 idxn_v0, idxn_v1, idxp_v, nbuf0, nbuf1, pair_v,
                 semg0, semg1, semw0, semw1, semp):
    wid = lax.axis_index("s") * NC + lax.axis_index("c")
    pltpu.sync_copy(didx_hbm.at[pl.ds(wid * PB_W, PB_W)], idxp_v)
    cpp = pltpu.async_copy(emb_hbm.at[idxp_v], pair_v, semp)
    _gather_rows(t2_hbm, nidx_hbm, out_n, wid, (idxn_v0, idxn_v1),
                 (nbuf0, nbuf1), (semg0, semg1), (semw0, semw1))
    cpp.wait()
    pltpu.sync_copy(pair_v, out_p.at[pl.ds(wid * PB_W, PB_W)])


def _sc_gather_b(t2_hbm, nidx_hbm, out_n,
                 idxn_v0, idxn_v1, nbuf0, nbuf1,
                 semg0, semg1, semw0, semw1):
    wid = lax.axis_index("s") * NC + lax.axis_index("c")
    _gather_rows(t2_hbm, nidx_hbm, out_n, wid, (idxn_v0, idxn_v1),
                 (nbuf0, nbuf1), (semg0, semg1), (semw0, semw1))


def _table_body(emb_ref, dw_ref, w1b_ref, t2_ref):
    w1b = w1b_ref[...]
    t2_ref[pl.ds(0, N), :] = jnp.dot(
        emb_ref[...].astype(jnp.bfloat16), w1b,
        preferred_element_type=jnp.float32)
    dwb = jnp.broadcast_to(dw_ref[...], (8, D)).astype(jnp.bfloat16)
    t2_ref[pl.ds(N, 8), :] = jnp.dot(
        dwb, w1b, preferred_element_type=jnp.float32)


def _mlp_body(pair_ref, t2_ref, w1t_ref, b1_ref, wa_ref,
              ba_ref, g_ref, beta_ref, wb_ref, lg_ref):
    pr = pair_ref[...].reshape(QB, 2, D)
    kq = (pr[:, 0, :] + pr[:, 1, :]) * 0.5
    e1b = kq.astype(jnp.bfloat16)
    a1 = jnp.dot(e1b, w1t_ref[...], preferred_element_type=jnp.float32)
    a1r = jnp.broadcast_to(a1[:, None, :], (QB, M, D)).reshape(RB, D)
    kqr = jnp.broadcast_to(kq[:, None, :], (QB, M, D)).reshape(RB, D)
    c1 = a1r + t2_ref[...]
    e = kqr + (c1 + b1_ref[...])
    ebf = e.astype(jnp.bfloat16)
    c2 = jnp.dot(ebf, wa_ref[...], preferred_element_type=jnp.float32)
    h = c2 + ba_ref[...]
    mu = jnp.mean(h, axis=-1, keepdims=True)
    var = jnp.mean((h - mu) ** 2, axis=-1, keepdims=True)
    hn = (h - mu) / jnp.sqrt(var + 1e-5) * g_ref[...] + beta_ref[...]
    t = jnp.tanh(hn)
    c3 = jnp.dot(t, wb_ref[...], preferred_element_type=jnp.float32)
    lg_ref[...] = c3.reshape(QB, M)


def _sample_body(lg_ref, bb_ref, gum_ref, nidx_ref, probs_ref, samp_ref):
    l = lg_ref[...] + bb_ref[0, 0]
    mx = jnp.max(l, axis=-1, keepdims=True)
    ex = jnp.exp(l - mx)
    s = jnp.sum(ex, axis=-1, keepdims=True)
    probs = ex / s
    probs_ref[...] = probs
    z = gum_ref[...] + jnp.log(probs + 1e-20)
    zmax = jnp.max(z, axis=-1, keepdims=True)
    iota = lax.broadcasted_iota(jnp.int32, (B, M), 1)
    samp = jnp.min(jnp.where(z == zmax, iota, M), axis=-1)
    samp_ref[...] = jnp.sum(
        jnp.where(iota == samp[:, None], nidx_ref[...], 0),
        axis=-1, keepdims=True)


def kernel(data_idx, adj_matrix, edge_rel, embeddings, neighbor_idx, done_w,
           W1, b1, Wa, ba, g, beta, Wb, bb):
    del adj_matrix, edge_rel
    f32 = jnp.float32

    t2_tab = pl.pallas_call(
        _table_body,
        out_shape=jax.ShapeDtypeStruct((NPAD, D), f32),
    )(embeddings, done_w, W1[D:, :])

    nidx_flat = neighbor_idx.reshape(BM).astype(jnp.int32)
    didx_flat = data_idx.reshape(BP).astype(jnp.int32)
    BH = BM // 2

    mesh = plsc.VectorSubcoreMesh(core_axis_name="c", subcore_axis_name="s")
    sc_params = pltpu.CompilerParams(use_tc_tiling_on_sc=False)
    nbuf_scratch = [
        pltpu.VMEM((CROWS,), jnp.int32),
        pltpu.VMEM((CROWS,), jnp.int32),
        pltpu.VMEM((CROWS, D), f32),
        pltpu.VMEM((CROWS, D), f32),
        pltpu.SemaphoreType.DMA,
        pltpu.SemaphoreType.DMA,
        pltpu.SemaphoreType.DMA,
        pltpu.SemaphoreType.DMA,
    ]
    NSPLIT = 2
    BQ = BM // NSPLIT
    gathered = []
    gathered_p = None
    for k in range(NSPLIT):
        nidx_k = nidx_flat[k * BQ:(k + 1) * BQ]
        if k == 0:
            g_k, gathered_p = pl.kernel(
                _sc_gather_a,
                mesh=mesh,
                compiler_params=sc_params,
                out_type=[jax.ShapeDtypeStruct((BQ, D), f32),
                          jax.ShapeDtypeStruct((BP, D), f32)],
                scratch_types=nbuf_scratch[:2]
                + [pltpu.VMEM((PB_W,), jnp.int32)]
                + nbuf_scratch[2:4] + [pltpu.VMEM((PB_W, D), f32)]
                + nbuf_scratch[4:] + [pltpu.SemaphoreType.DMA],
            )(t2_tab, embeddings, nidx_k, didx_flat)
        else:
            g_k = pl.kernel(
                _sc_gather_b,
                mesh=mesh,
                compiler_params=sc_params,
                out_type=jax.ShapeDtypeStruct((BQ, D), f32),
                scratch_types=nbuf_scratch,
            )(t2_tab, nidx_k)
        gathered.append(g_k)

    nq = B // NSPLIT // QB
    mlp_specs = dict(
        grid=(nq,),
        in_specs=[
            pl.BlockSpec((2 * QB, D), lambda i: (i, 0)),
            pl.BlockSpec((RB, D), lambda i: (i, 0)),
            pl.BlockSpec((D, D), lambda i: (0, 0)),
            pl.BlockSpec((1, D), lambda i: (0, 0)),
            pl.BlockSpec((D, H), lambda i: (0, 0)),
            pl.BlockSpec((1, H), lambda i: (0, 0)),
            pl.BlockSpec((1, H), lambda i: (0, 0)),
            pl.BlockSpec((1, H), lambda i: (0, 0)),
            pl.BlockSpec((H, 1), lambda i: (0, 0)),
        ],
        out_specs=pl.BlockSpec((QB, M), lambda i: (i, 0)),
        out_shape=jax.ShapeDtypeStruct((B // NSPLIT, M), f32),
    )
    wargs = (W1[:D, :], b1.reshape(1, D), Wa, ba.reshape(1, H),
             g.reshape(1, H), beta.reshape(1, H), Wb)
    PQ = BP // NSPLIT
    logits_parts = [
        pl.pallas_call(_mlp_body, **mlp_specs)(
            gathered_p[k * PQ:(k + 1) * PQ], gathered[k], *wargs)
        for k in range(NSPLIT)
    ]
    logits = jnp.concatenate(logits_parts, axis=0)

    gum = jax.random.gumbel(jax.random.key(42), (B, M), f32)

    probs, sampled = pl.pallas_call(
        _sample_body,
        out_shape=[jax.ShapeDtypeStruct((B, M), f32),
                   jax.ShapeDtypeStruct((B, 1), jnp.int32)],
    )(logits, bb.reshape(1, 1), gum, neighbor_idx.astype(jnp.int32))

    return (probs, sampled.reshape(B))

# --- scband reference (transcript-rebuilt; emitter-appended) ---
"""Pipeline reference for scband-sampler-67353677136471 (READ-ONLY COPY).

The authoritative reference and input builder live on the scoring server;
editing this copy changes nothing except your own understanding.
"""

import jax, jax.numpy as jnp
import numpy as np

N = 10000
D = 128
B = 1024
M = 64
E = 320000


def setup_inputs(seed: int = 0) -> dict:
    key = jax.random.key(seed)
    ks = jax.random.split(key, 16)
    inp = {}
    inp['data_idx'] = jax.random.randint(ks[0], (B, 2), 0, N)
    inp['adj_matrix'] = jax.random.randint(ks[1], (2, E), 0, N)
    inp['edge_rel'] = jax.random.randint(ks[2], (E,), 0, 16)
    inp['embeddings'] = jax.random.normal(ks[3], (N, D), dtype=jnp.float32)
    # candidate neighbors per query; index N refers to the 'done' embedding row
    inp['neighbor_idx'] = jax.random.randint(ks[4], (B, M), 0, N + 1)
    # learned parameters
    inp['done_w'] = 0.02 * jax.random.normal(ks[5], (1, D), dtype=jnp.float32)
    inp['W1'] = jax.random.normal(ks[6], (2 * D, D), dtype=jnp.float32) / np.sqrt(2 * D)
    inp['b1'] = jnp.zeros((D,), dtype=jnp.float32)
    inp['Wa'] = jax.random.normal(ks[7], (D, 32), dtype=jnp.float32) / np.sqrt(D)
    inp['ba'] = jnp.zeros((32,), dtype=jnp.float32)
    inp['g'] = jnp.ones((32,), dtype=jnp.float32)
    inp['beta'] = jnp.zeros((32,), dtype=jnp.float32)
    inp['Wb'] = jax.random.normal(ks[8], (32, 1), dtype=jnp.float32) / np.sqrt(32)
    inp['bb'] = jnp.zeros((1,), dtype=jnp.float32)
    return inp


def _prior(e1, e2, W1, b1, Wa, ba, g, beta, Wb, bb):
    # Prior.forward: e2 = fc1(cat(e1,e2)); e = e1 + e2; logits = fc_layers(e)
    e2p = jnp.concatenate([e1, e2], axis=-1) @ W1 + b1
    e = e1 + e2p
    h = e @ Wa + ba
    mu = h.mean(axis=-1, keepdims=True)
    var = jnp.mean((h - mu) ** 2, axis=-1, keepdims=True)
    h = (h - mu) / jnp.sqrt(var + 1e-5) * g + beta
    h = jnp.tanh(h)
    logits = (h @ Wb + bb)[..., 0]
    return logits


def reference(data_idx, adj_matrix, edge_rel, embeddings, neighbor_idx,
              done_w, W1, b1, Wa, ba, g, beta, Wb, bb):
    # graph_embeddings = cat(embeddings, done_embedding.weight)
    graph_emb = jnp.concatenate([embeddings, done_w], axis=0)  # [N+1, D]
    # k_embeddings = mean of current (pair) node embeddings per query
    k_emb = jnp.take(graph_emb, data_idx, axis=0).mean(axis=1)  # [B, D]
    # neighbors_embeddings gather
    neigh = jnp.take(graph_emb, neighbor_idx, axis=0)  # [B, M, D]
    e1 = jnp.broadcast_to(k_emb[:, None, :], neigh.shape)
    logits = _prior(e1, neigh, W1, b1, Wa, ba, g, beta, Wb, bb)  # [B, M]
    # scatter_softmax per query group == softmax over the M candidates
    probs = jax.nn.softmax(logits, axis=-1)
    # multinomial sample (num_sample=1) with a fixed key for determinism
    samp = jax.random.categorical(jax.random.key(42), jnp.log(probs + 1e-20), axis=-1)
    sampled_neighbors = jnp.take_along_axis(neighbor_idx, samp[:, None], axis=1)[:, 0]
    return (probs, sampled_neighbors)

if __name__ == "__main__":
    import jax
    _d = setup_inputs()
    print(jax.jit(kernel)(*tuple(_d.values())))

</pallas_src>

<mosaic_0001>
#map = affine_map<(d0, d1) -> (0, 0)>
#map1 = affine_map<(d0, d1) -> (0)>
module attributes {stable_mosaic.version = 14 : i64} {
  func.func @_sc_gather_a(%arg0: i32, %arg1: i32, %arg2: memref<10008x128xf32, #tpu.memory_space<hbm>>, %arg3: memref<10000x128xf32, #tpu.memory_space<hbm>>, %arg4: memref<32768xi32, #tpu.memory_space<hbm>>, %arg5: memref<2048xi32, #tpu.memory_space<hbm>>, %arg6: memref<32768x128xf32, #tpu.memory_space<hbm>>, %arg7: memref<2048x128xf32, #tpu.memory_space<hbm>>, %arg8: memref<256xi32, #tpu.memory_space<vmem>>, %arg9: memref<256xi32, #tpu.memory_space<vmem>>, %arg10: memref<64xi32, #tpu.memory_space<vmem>>, %arg11: memref<256x128xf32, #tpu.memory_space<vmem>>, %arg12: memref<256x128xf32, #tpu.memory_space<vmem>>, %arg13: memref<64x128xf32, #tpu.memory_space<vmem>>, %arg14: memref<!tpu.dma_semaphore, #tpu.memory_space<semaphore_mem>>, %arg15: memref<!tpu.dma_semaphore, #tpu.memory_space<semaphore_mem>>, %arg16: memref<!tpu.dma_semaphore, #tpu.memory_space<semaphore_mem>>, %arg17: memref<!tpu.dma_semaphore, #tpu.memory_space<semaphore_mem>>, %arg18: memref<!tpu.dma_semaphore, #tpu.memory_space<semaphore_mem>>) attributes {dimension_semantics = [#tpu.dimension_semantics<core_parallel>, #tpu.dimension_semantics<subcore_parallel>], iteration_bounds = array<i64: 2, 16>, scalar_prefetch = 0 : i64, scratch_operands = 11 : i64, tpu.core_type = #tpu.core_type<sc_vector_subcore>, window_params = [{transform_indices = #map}, {transform_indices = #map}, {transform_indices = #map1}, {transform_indices = #map1}, {transform_indices = #map}, {transform_indices = #map}]} {
    %mul3A = arith.constant 2 : i32
    %mul3A_0 = arith.muli %arg1, %mul3A : i32
    %add3A = arith.addi %mul3A_0, %arg0 : i32
    %mul3A_1 = arith.constant 64 : i32
    %mul3A_2 = arith.muli %add3A, %mul3A_1 : i32
    "tpu.region"() ({
      %run_scoped3A = tpu.sem_alloc : memref<!tpu.dma_semaphore, #tpu.memory_space<semaphore_mem>>
      %dma_start3A_95 = tpu.memref_slice %arg5[%mul3A_2] : memref<2048xi32, #tpu.memory_space<hbm>> -> memref<64xi32, #tpu.memory_space<hbm>>
      %dma_start3A_96 = tpu.memref_slice %arg5[%mul3A_2] : memref<2048xi32, #tpu.memory_space<hbm>> -> memref<64xi32, #tpu.memory_space<hbm>>
      tpu.enqueue_dma source(%dma_start3A_96 : memref<64xi32, #tpu.memory_space<hbm>>) target(%arg10 : memref<64xi32, #tpu.memory_space<vmem>>) target_semaphore(%run_scoped3A : memref<!tpu.dma_semaphore, #tpu.memory_space<semaphore_mem>>)
      %dma_wait3A_97 = tpu.memref_slice %arg5[%mul3A_2] : memref<2048xi32, #tpu.memory_space<hbm>> -> memref<64xi32, #tpu.memory_space<hbm>>
      %dma_wait3A_98 = tpu.memref_slice %arg5[%mul3A_2] : memref<2048xi32, #tpu.memory_space<hbm>> -> memref<64xi32, #tpu.memory_space<hbm>>
      tpu.wait_dma2 semaphore(%run_scoped3A : memref<!tpu.dma_semaphore, #tpu.memory_space<semaphore_mem>>) src(%dma_wait3A_98 : memref<64xi32, #tpu.memory_space<hbm>>) dst(%arg10 : memref<64xi32, #tpu.memory_space<vmem>>)
      tpu.yield
    }) : () -> ()
    %dma_start3A = arith.constant 0 : i32
    %dma_start3A_3 = arith.constant 0 : i32
    %dma_start3A_4 = tpu.memref_slice %arg3[%dma_start3A, %dma_start3A_3] : memref<10000x128xf32, #tpu.memory_space<hbm>> -> memref<10000x128xf32, #tpu.memory_space<hbm>>
    tpu.enqueue_indirect_dma source(%dma_start3A_4 : memref<10000x128xf32, #tpu.memory_space<hbm>>) target(%arg13 : memref<64x128xf32, #tpu.memory_space<vmem>>) offsets(%arg10 : memref<64xi32, #tpu.memory_space<vmem>>) semaphore(%arg18 : memref<!tpu.dma_semaphore, #tpu.memory_space<semaphore_mem>>)
    %mul3A_5 = arith.constant 1024 : i32
    %mul3A_6 = arith.muli %add3A, %mul3A_5 : i32
    "tpu.region"() ({
      %run_scoped3A = tpu.sem_alloc : memref<!tpu.dma_semaphore, #tpu.memory_space<semaphore_mem>>
      %dma_start3A_95 = tpu.memref_slice %arg4[%mul3A_6] : memref<32768xi32, #tpu.memory_space<hbm>> -> memref<256xi32, #tpu.memory_space<hbm>>
      %dma_start3A_96 = tpu.memref_slice %arg4[%mul3A_6] : memref<32768xi32, #tpu.memory_space<hbm>> -> memref<256xi32, #tpu.memory_space<hbm>>
      tpu.enqueue_dma source(%dma_start3A_96 : memref<256xi32, #tpu.memory_space<hbm>>) target(%arg8 : memref<256xi32, #tpu.memory_space<vmem>>) target_semaphore(%run_scoped3A : memref<!tpu.dma_semaphore, #tpu.memory_space<semaphore_mem>>)
      %dma_wait3A_97 = tpu.memref_slice %arg4[%mul3A_6] : memref<32768xi32, #tpu.memory_space<hbm>> -> memref<256xi32, #tpu.memory_space<hbm>>
      %dma_wait3A_98 = tpu.memref_slice %arg4[%mul3A_6] : memref<32768xi32, #tpu.memory_space<hbm>> -> memref<256xi32, #tpu.memory_space<hbm>>
      tpu.wait_dma2 semaphore(%run_scoped3A : memref<!tpu.dma_semaphore, #tpu.memory_space<semaphore_mem>>) src(%dma_wait3A_98 : memref<256xi32, #tpu.memory_space<hbm>>) dst(%arg8 : memref<256xi32, #tpu.memory_space<vmem>>)
      tpu.yield
    }) : () -> ()
    %dma_start3A_7 = arith.constant 0 : i32
    %dma_start3A_8 = arith.constant 0 : i32
    %dma_start3A_9 = tpu.memref_slice %arg2[%dma_start3A_7, %dma_start3A_8] : memref<10008x128xf32, #tpu.memory_space<hbm>> -> memref<10008x128xf32, #tpu.memory_space<hbm>>
    tpu.enqueue_indirect_dma source(%dma_start3A_9 : memref<10008x128xf32, #tpu.memory_space<hbm>>) target(%arg11 : memref<256x128xf32, #tpu.memory_space<vmem>>) offsets(%arg8 : memref<256xi32, #tpu.memory_space<vmem>>) semaphore(%arg14 : memref<!tpu.dma_semaphore, #tpu.memory_space<semaphore_mem>>)
    %mul3A_10 = arith.constant 1024 : i32
    %mul3A_11 = arith.muli %add3A, %mul3A_10 : i32
    %add3A_12 = arith.constant 256 : i32
    %add3A_13 = arith.addi %mul3A_11, %add3A_12 : i32
    "tpu.region"() ({
      %run_scoped3A = tpu.sem_alloc : memref<!tpu.dma_semaphore, #tpu.memory_space<semaphore_mem>>
      %dma_start3A_95 = tpu.memref_slice %arg4[%add3A_13] : memref<32768xi32, #tpu.memory_space<hbm>> -> memref<256xi32, #tpu.memory_space<hbm>>
      %dma_start3A_96 = tpu.memref_slice %arg4[%add3A_13] : memref<32768xi32, #tpu.memory_space<hbm>> -> memref<256xi32, #tpu.memory_space<hbm>>
      tpu.enqueue_dma source(%dma_start3A_96 : memref<256xi32, #tpu.memory_space<hbm>>) target(%arg9 : memref<256xi32, #tpu.memory_space<vmem>>) target_semaphore(%run_scoped3A : memref<!tpu.dma_semaphore, #tpu.memory_space<semaphore_mem>>)
      %dma_wait3A_97 = tpu.memref_slice %arg4[%add3A_13] : memref<32768xi32, #tpu.memory_space<hbm>> -> memref<256xi32, #tpu.memory_space<hbm>>
      %dma_wait3A_98 = tpu.memref_slice %arg4[%add3A_13] : memref<32768xi32, #tpu.memory_space<hbm>> -> memref<256xi32, #tpu.memory_space<hbm>>
      tpu.wait_dma2 semaphore(%run_scoped3A : memref<!tpu.dma_semaphore, #tpu.memory_space<semaphore_mem>>) src(%dma_wait3A_98 : memref<256xi32, #tpu.memory_space<hbm>>) dst(%arg9 : memref<256xi32, #tpu.memory_space<vmem>>)
      tpu.yield
    }) : () -> ()
    %dma_start3A_14 = arith.constant 0 : i32
    %dma_start3A_15 = arith.constant 0 : i32
    %dma_start3A_16 = tpu.memref_slice %arg2[%dma_start3A_14, %dma_start3A_15] : memref<10008x128xf32, #tpu.memory_space<hbm>> -> memref<10008x128xf32, #tpu.memory_space<hbm>>
    tpu.enqueue_indirect_dma source(%dma_start3A_16 : memref<10008x128xf32, #tpu.memory_space<hbm>>) target(%arg12 : memref<256x128xf32, #tpu.memory_space<vmem>>) offsets(%arg9 : memref<256xi32, #tpu.memory_space<vmem>>) semaphore(%arg15 : memref<!tpu.dma_semaphore, #tpu.memory_space<semaphore_mem>>)
    %dma_wait3A = arith.constant 0 : i32
    %dma_wait3A_17 = arith.constant 0 : i32
    %dma_wait3A_18 = tpu.memref_slice %arg2[%dma_wait3A, %dma_wait3A_17] : memref<10008x128xf32, #tpu.memory_space<hbm>> -> memref<10008x128xf32, #tpu.memory_space<hbm>>
    tpu.wait_indirect_dma semaphore(%arg14 : memref<!tpu.dma_semaphore, #tpu.memory_space<semaphore_mem>>) src(%dma_wait3A_18 : memref<10008x128xf32, #tpu.memory_space<hbm>>) dst(%arg11 : memref<256x128xf32, #tpu.memory_space<vmem>>)
    %mul3A_19 = arith.constant 1024 : i32
    %mul3A_20 = arith.muli %add3A, %mul3A_19 : i32
    %add3A_21 = arith.constant 0 : i32
    %add3A_22 = arith.addi %mul3A_20, %add3A_21 : i32
    %dma_start3A_23 = arith.constant 0 : i32
    %dma_start3A_24 = tpu.memref_slice %arg6[%add3A_22, %dma_start3A_23] : memref<32768x128xf32, #tpu.memory_space<hbm>> -> memref<256x128xf32, #tpu.memory_space<hbm>>
    %dma_start3A_25 = arith.constant 0 : i32
    %dma_start3A_26 = tpu.memref_slice %arg6[%add3A_22, %dma_start3A_25] : memref<32768x128xf32, #tpu.memory_space<hbm>> -> memref<256x128xf32, #tpu.memory_space<hbm>>
    tpu.enqueue_dma source(%arg11 : memref<256x128xf32, #tpu.memory_space<vmem>>) target(%dma_start3A_26 : memref<256x128xf32, #tpu.memory_space<hbm>>) target_semaphore(%arg16 : memref<!tpu.dma_semaphore, #tpu.memory_space<semaphore_mem>>)
    %mul3A_27 = arith.constant 1024 : i32
    %mul3A_28 = arith.muli %add3A, %mul3A_27 : i32
    %add3A_29 = arith.constant 512 : i32
    %add3A_30 = arith.addi %mul3A_28, %add3A_29 : i32
    "tpu.region"() ({
      %run_scoped3A = tpu.sem_alloc : memref<!tpu.dma_semaphore, #tpu.memory_space<semaphore_mem>>
      %dma_start3A_95 = tpu.memref_slice %arg4[%add3A_30] : memref<32768xi32, #tpu.memory_space<hbm>> -> memref<256xi32, #tpu.memory_space<hbm>>
      %dma_start3A_96 = tpu.memref_slice %arg4[%add3A_30] : memref<32768xi32, #tpu.memory_space<hbm>> -> memref<256xi32, #tpu.memory_space<hbm>>
      tpu.enqueue_dma source(%dma_start3A_96 : memref<256xi32, #tpu.memory_space<hbm>>) target(%arg8 : memref<256xi32, #tpu.memory_space<vmem>>) target_semaphore(%run_scoped3A : memref<!tpu.dma_semaphore, #tpu.memory_space<semaphore_mem>>)
      %dma_wait3A_97 = tpu.memref_slice %arg4[%add3A_30] : memref<32768xi32, #tpu.memory_space<hbm>> -> memref<256xi32, #tpu.memory_space<hbm>>
      %dma_wait3A_98 = tpu.memref_slice %arg4[%add3A_30] : memref<32768xi32, #tpu.memory_space<hbm>> -> memref<256xi32, #tpu.memory_space<hbm>>
      tpu.wait_dma2 semaphore(%run_scoped3A : memref<!tpu.dma_semaphore, #tpu.memory_space<semaphore_mem>>) src(%dma_wait3A_98 : memref<256xi32, #tpu.memory_space<hbm>>) dst(%arg8 : memref<256xi32, #tpu.memory_space<vmem>>)
      tpu.yield
    }) : () -> ()
    %dma_wait3A_31 = arith.constant 0 : i32
    %dma_wait3A_32 = tpu.memref_slice %arg6[%add3A_22, %dma_wait3A_31] : memref<32768x128xf32, #tpu.memory_space<hbm>> -> memref<256x128xf32, #tpu.memory_space<hbm>>
    %dma_wait3A_33 = arith.constant 0 : i32
    %dma_wait3A_34 = tpu.memref_slice %arg6[%add3A_22, %dma_wait3A_33] : memref<32768x128xf32, #tpu.memory_space<hbm>> -> memref<256x128xf32, #tpu.memory_space<hbm>>
    tpu.wait_dma2 semaphore(%arg16 : memref<!tpu.dma_semaphore, #tpu.memory_space<semaphore_mem>>) src(%arg11 : memref<256x128xf32, #tpu.memory_space<vmem>>) dst(%dma_wait3A_34 : memref<256x128xf32, #tpu.memory_space<hbm>>)
    %dma_start3A_35 = arith.constant 0 : i32
    %dma_start3A_36 = arith.constant 0 : i32
    %dma_start3A_37 = tpu.memref_slice %arg2[%dma_start3A_35, %dma_start3A_36] : memref<10008x128xf32, #tpu.memory_space<hbm>> -> memref<10008x128xf32, #tpu.memory_space<hbm>>
    tpu.enqueue_indirect_dma source(%dma_start3A_37 : memref<10008x128xf32, #tpu.memory_space<hbm>>) target(%arg11 : memref<256x128xf32, #tpu.memory_space<vmem>>) offsets(%arg8 : memref<256xi32, #tpu.memory_space<vmem>>) semaphore(%arg14 : memref<!tpu.dma_semaphore, #tpu.memory_space<semaphore_mem>>)
    %dma_wait3A_38 = arith.constant 0 : i32
    %dma_wait3A_39 = arith.constant 0 : i32
    %dma_wait3A_40 = tpu.memref_slice %arg2[%dma_wait3A_38, %dma_wait3A_39] : memref<10008x128xf32, #tpu.memory_space<hbm>> -> memref<10008x128xf32, #tpu.memory_space<hbm>>
    tpu.wait_indirect_dma semaphore(%arg15 : memref<!tpu.dma_semaphore, #tpu.memory_space<semaphore_mem>>) src(%dma_wait3A_40 : memref<10008x128xf32, #tpu.memory_space<hbm>>) dst(%arg12 : memref<256x128xf32, #tpu.memory_space<vmem>>)
    %mul3A_41 = arith.constant 1024 : i32
    %mul3A_42 = arith.muli %add3A, %mul3A_41 : i32
    %add3A_43 = arith.constant 256 : i32
    %add3A_44 = arith.addi %mul3A_42, %add3A_43 : i32
    %dma_start3A_45 = arith.constant 0 : i32
    %dma_start3A_46 = tpu.memref_slice %arg6[%add3A_44, %dma_start3A_45] : memref<32768x128xf32, #tpu.memory_space<hbm>> -> memref<256x128xf32, #tpu.memory_space<hbm>>
    %dma_start3A_47 = arith.constant 0 : i32
    %dma_start3A_48 = tpu.memref_slice %arg6[%add3A_44, %dma_start3A_47] : memref<32768x128xf32, #tpu.memory_space<hbm>> -> memref<256x128xf32, #tpu.memory_space<hbm>>
    tpu.enqueue_dma source(%arg12 : memref<256x128xf32, #tpu.memory_space<vmem>>) target(%dma_start3A_48 : memref<256x128xf32, #tpu.memory_space<hbm>>) target_semaphore(%arg17 : memref<!tpu.dma_semaphore, #tpu.memory_space<semaphore_mem>>)
    %mul3A_49 = arith.constant 1024 : i32
    %mul3A_50 = arith.muli %add3A, %mul3A_49 : i32
    %add3A_51 = arith.constant 768 : i32
    %add3A_52 = arith.addi %mul3A_50, %add3A_51 : i32
    "tpu.region"() ({
      %run_scoped3A = tpu.sem_alloc : memref<!tpu.dma_semaphore, #tpu.memory_space<semaphore_mem>>
      %dma_start3A_95 = tpu.memref_slice %arg4[%add3A_52] : memref<32768xi32, #tpu.memory_space<hbm>> -> memref<256xi32, #tpu.memory_space<hbm>>
      %dma_start3A_96 = tpu.memref_slice %arg4[%add3A_52] : memref<32768xi32, #tpu.memory_space<hbm>> -> memref<256xi32, #tpu.memory_space<hbm>>
      tpu.enqueue_dma source(%dma_start3A_96 : memref<256xi32, #tpu.memory_space<hbm>>) target(%arg9 : memref<256xi32, #tpu.memory_space<vmem>>) target_semaphore(%run_scoped3A : memref<!tpu.dma_semaphore, #tpu.memory_space<semaphore_mem>>)
      %dma_wait3A_97 = tpu.memref_slice %arg4[%add3A_52] : memref<32768xi32, #tpu.memory_space<hbm>> -> memref<256xi32, #tpu.memory_space<hbm>>
      %dma_wait3A_98 = tpu.memref_slice %arg4[%add3A_52] : memref<32768xi32, #tpu.memory_space<hbm>> -> memref<256xi32, #tpu.memory_space<hbm>>
      tpu.wait_dma2 semaphore(%run_scoped3A : memref<!tpu.dma_semaphore, #tpu.memory_space<semaphore_mem>>) src(%dma_wait3A_98 : memref<256xi32, #tpu.memory_space<hbm>>) dst(%arg9 : memref<256xi32, #tpu.memory_space<vmem>>)
      tpu.yield
    }) : () -> ()
    %dma_wait3A_53 = arith.constant 0 : i32
    %dma_wait3A_54 = tpu.memref_slice %arg6[%add3A_44, %dma_wait3A_53] : memref<32768x128xf32, #tpu.memory_space<hbm>> -> memref<256x128xf32, #tpu.memory_space<hbm>>
    %dma_wait3A_55 = arith.constant 0 : i32
    %dma_wait3A_56 = tpu.memref_slice %arg6[%add3A_44, %dma_wait3A_55] : memref<32768x128xf32, #tpu.memory_space<hbm>> -> memref<256x128xf32, #tpu.memory_space<hbm>>
    tpu.wait_dma2 semaphore(%arg17 : memref<!tpu.dma_semaphore, #tpu.memory_space<semaphore_mem>>) src(%arg12 : memref<256x128xf32, #tpu.memory_space<vmem>>) dst(%dma_wait3A_56 : memref<256x128xf32, #tpu.memory_space<hbm>>)
    %dma_start3A_57 = arith.constant 0 : i32
    %dma_start3A_58 = arith.constant 0 : i32
    %dma_start3A_59 = tpu.memref_slice %arg2[%dma_start3A_57, %dma_start3A_58] : memref<10008x128xf32, #tpu.memory_space<hbm>> -> memref<10008x128xf32, #tpu.memory_space<hbm>>
    tpu.enqueue_indirect_dma source(%dma_start3A_59 : memref<10008x128xf32, #tpu.memory_space<hbm>>) target(%arg12 : memref<256x128xf32, #tpu.memory_space<vmem>>) offsets(%arg9 : memref<256xi32, #tpu.memory_space<vmem>>) semaphore(%arg15 : memref<!tpu.dma_semaphore, #tpu.memory_space<semaphore_mem>>)
    %dma_wait3A_60 = arith.constant 0 : i32
    %dma_wait3A_61 = arith.constant 0 : i32
    %dma_wait3A_62 = tpu.memref_slice %arg2[%dma_wait3A_60, %dma_wait3A_61] : memref<10008x128xf32, #tpu.memory_space<hbm>> -> memref<10008x128xf32, #tpu.memory_space<hbm>>
    tpu.wait_indirect_dma semaphore(%arg14 : memref<!tpu.dma_semaphore, #tpu.memory_space<semaphore_mem>>) src(%dma_wait3A_62 : memref<10008x128xf32, #tpu.memory_space<hbm>>) dst(%arg11 : memref<256x128xf32, #tpu.memory_space<vmem>>)
    %mul3A_63 = arith.constant 1024 : i32
    %mul3A_64 = arith.muli %add3A, %mul3A_63 : i32
    %add3A_65 = arith.constant 512 : i32
    %add3A_66 = arith.addi %mul3A_64, %add3A_65 : i32
    %dma_start3A_67 = arith.constant 0 : i32
    %dma_start3A_68 = tpu.memref_slice %arg6[%add3A_66, %dma_start3A_67] : memref<32768x128xf32, #tpu.memory_space<hbm>> -> memref<256x128xf32, #tpu.memory_space<hbm>>
    %dma_start3A_69 = arith.constant 0 : i32
    %dma_start3A_70 = tpu.memref_slice %arg6[%add3A_66, %dma_start3A_69] : memref<32768x128xf32, #tpu.memory_space<hbm>> -> memref<256x128xf32, #tpu.memory_space<hbm>>
    tpu.enqueue_dma source(%arg11 : memref<256x128xf32, #tpu.memory_space<vmem>>) target(%dma_start3A_70 : memref<256x128xf32, #tpu.memory_space<hbm>>) target_semaphore(%arg16 : memref<!tpu.dma_semaphore, #tpu.memory_space<semaphore_mem>>)
    %dma_wait3A_71 = arith.constant 0 : i32
    %dma_wait3A_72 = arith.constant 0 : i32
    %dma_wait3A_73 = tpu.memref_slice %arg2[%dma_wait3A_71, %dma_wait3A_72] : memref<10008x128xf32, #tpu.memory_space<hbm>> -> memref<10008x128xf32, #tpu.memory_space<hbm>>
    tpu.wait_indirect_dma semaphore(%arg15 : memref<!tpu.dma_semaphore, #tpu.memory_space<semaphore_mem>>) src(%dma_wait3A_73 : memref<10008x128xf32, #tpu.memory_space<hbm>>) dst(%arg12 : memref<256x128xf32, #tpu.memory_space<vmem>>)
    %mul3A_74 = arith.constant 1024 : i32
    %mul3A_75 = arith.muli %add3A, %mul3A_74 : i32
    %add3A_76 = arith.constant 768 : i32
    %add3A_77 = arith.addi %mul3A_75, %add3A_76 : i32
    %dma_start3A_78 = arith.constant 0 : i32
    %dma_start3A_79 = tpu.memref_slice %arg6[%add3A_77, %dma_start3A_78] : memref<32768x128xf32, #tpu.memory_space<hbm>> -> memref<256x128xf32, #tpu.memory_space<hbm>>
    %dma_start3A_80 = arith.constant 0 : i32
    %dma_start3A_81 = tpu.memref_slice %arg6[%add3A_77, %dma_start3A_80] : memref<32768x128xf32, #tpu.memory_space<hbm>> -> memref<256x128xf32, #tpu.memory_space<hbm>>
    tpu.enqueue_dma source(%arg12 : memref<256x128xf32, #tpu.memory_space<vmem>>) target(%dma_start3A_81 : memref<256x128xf32, #tpu.memory_space<hbm>>) target_semaphore(%arg17 : memref<!tpu.dma_semaphore, #tpu.memory_space<semaphore_mem>>)
    %dma_wait3A_82 = arith.constant 0 : i32
    %dma_wait3A_83 = tpu.memref_slice %arg6[%add3A_66, %dma_wait3A_82] : memref<32768x128xf32, #tpu.memory_space<hbm>> -> memref<256x128xf32, #tpu.memory_space<hbm>>
    %dma_wait3A_84 = arith.constant 0 : i32
    %dma_wait3A_85 = tpu.memref_slice %arg6[%add3A_66, %dma_wait3A_84] : memref<32768x128xf32, #tpu.memory_space<hbm>> -> memref<256x128xf32, #tpu.memory_space<hbm>>
    tpu.wait_dma2 semaphore(%arg16 : memref<!tpu.dma_semaphore, #tpu.memory_space<semaphore_mem>>) src(%arg11 : memref<256x128xf32, #tpu.memory_space<vmem>>) dst(%dma_wait3A_85 : memref<256x128xf32, #tpu.memory_space<hbm>>)
    %dma_wait3A_86 = arith.constant 0 : i32
    %dma_wait3A_87 = tpu.memref_slice %arg6[%add3A_77, %dma_wait3A_86] : memref<32768x128xf32, #tpu.memory_space<hbm>> -> memref<256x128xf32, #tpu.memory_space<hbm>>
    %dma_wait3A_88 = arith.constant 0 : i32
    %dma_wait3A_89 = tpu.memref_slice %arg6[%add3A_77, %dma_wait3A_88] : memref<32768x128xf32, #tpu.memory_space<hbm>> -> memref<256x128xf32, #tpu.memory_space<hbm>>
    tpu.wait_dma2 semaphore(%arg17 : memref<!tpu.dma_semaphore, #tpu.memory_space<semaphore_mem>>) src(%arg12 : memref<256x128xf32, #tpu.memory_space<vmem>>) dst(%dma_wait3A_89 : memref<256x128xf32, #tpu.memory_space<hbm>>)
    %dma_wait3A_90 = arith.constant 0 : i32
    %dma_wait3A_91 = arith.constant 0 : i32
    %dma_wait3A_92 = tpu.memref_slice %arg3[%dma_wait3A_90, %dma_wait3A_91] : memref<10000x128xf32, #tpu.memory_space<hbm>> -> memref<10000x128xf32, #tpu.memory_space<hbm>>
    tpu.wait_indirect_dma semaphore(%arg18 : memref<!tpu.dma_semaphore, #tpu.memory_space<semaphore_mem>>) src(%dma_wait3A_92 : memref<10000x128xf32, #tpu.memory_space<hbm>>) dst(%arg13 : memref<64x128xf32, #tpu.memory_space<vmem>>)
    %mul3A_93 = arith.constant 64 : i32
    %mul3A_94 = arith.muli %add3A, %mul3A_93 : i32
    "tpu.region"() ({
      %run_scoped3A = tpu.sem_alloc : memref<!tpu.dma_semaphore, #tpu.memory_space<semaphore_mem>>
      %dma_start3A_95 = arith.constant 0 : i32
      %dma_start3A_96 = tpu.memref_slice %arg7[%mul3A_94, %dma_start3A_95] : memref<2048x128xf32, #tpu.memory_space<hbm>> -> memref<64x128xf32, #tpu.memory_space<hbm>>
      %dma_start3A_97 = arith.constant 0 : i32
      %dma_start3A_98 = tpu.memref_slice %arg7[%mul3A_94, %dma_start3A_97] : memref<2048x128xf32, #tpu.memory_space<hbm>> -> memref<64x128xf32, #tpu.memory_space<hbm>>
      tpu.enqueue_dma source(%arg13 : memref<64x128xf32, #tpu.memory_space<vmem>>) target(%dma_start3A_98 : memref<64x128xf32, #tpu.memory_space<hbm>>) target_semaphore(%run_scoped3A : memref<!tpu.dma_semaphore, #tpu.memory_space<semaphore_mem>>)
      %dma_wait3A_99 = arith.constant 0 : i32
      %dma_wait3A_100 = tpu.memref_slice %arg7[%mul3A_94, %dma_wait3A_99] : memref<2048x128xf32, #tpu.memory_space<hbm>> -> memref<64x128xf32, #tpu.memory_space<hbm>>
      %dma_wait3A_101 = arith.constant 0 : i32
      %dma_wait3A_102 = tpu.memref_slice %arg7[%mul3A_94, %dma_wait3A_101] : memref<2048x128xf32, #tpu.memory_space<hbm>> -> memref<64x128xf32, #tpu.memory_space<hbm>>
      tpu.wait_dma2 semaphore(%run_scoped3A : memref<!tpu.dma_semaphore, #tpu.memory_space<semaphore_mem>>) src(%arg13 : memref<64x128xf32, #tpu.memory_space<vmem>>) dst(%dma_wait3A_102 : memref<64x128xf32, #tpu.memory_space<hbm>>)
      tpu.yield
    }) : () -> ()
    return
  }
}

#map = affine_map<(d0, d1) -> (0, 0)>
#map1 = affine_map<(d0, d1) -> (0)>
module attributes {stable_mosaic.version = 14 : i64} {
  func.func @_sc_gather_b(%arg0: i32, %arg1: i32, %arg2: memref<10008x128xf32, #tpu.memory_space<hbm>>, %arg3: memref<32768xi32, #tpu.memory_space<hbm>>, %arg4: memref<32768x128xf32, #tpu.memory_space<hbm>>, %arg5: memref<256xi32, #tpu.memory_space<vmem>>, %arg6: memref<256xi32, #tpu.memory_space<vmem>>, %arg7: memref<256x128xf32, #tpu.memory_space<vmem>>, %arg8: memref<256x128xf32, #tpu.memory_space<vmem>>, %arg9: memref<!tpu.dma_semaphore, #tpu.memory_space<semaphore_mem>>, %arg10: memref<!tpu.dma_semaphore, #tpu.memory_space<semaphore_mem>>, %arg11: memref<!tpu.dma_semaphore, #tpu.memory_space<semaphore_mem>>, %arg12: memref<!tpu.dma_semaphore, #tpu.memory_space<semaphore_mem>>) attributes {dimension_semantics = [#tpu.dimension_semantics<core_parallel>, #tpu.dimension_semantics<subcore_parallel>], iteration_bounds = array<i64: 2, 16>, scalar_prefetch = 0 : i64, scratch_operands = 8 : i64, tpu.core_type = #tpu.core_type<sc_vector_subcore>, window_params = [{transform_indices = #map}, {transform_indices = #map1}, {transform_indices = #map}]} {
    %mul3A = arith.constant 2 : i32
    %mul3A_0 = arith.muli %arg1, %mul3A : i32
    %add3A = arith.addi %mul3A_0, %arg0 : i32
    %mul3A_1 = arith.constant 1024 : i32
    %mul3A_2 = arith.muli %add3A, %mul3A_1 : i32
    "tpu.region"() ({
      %run_scoped3A = tpu.sem_alloc : memref<!tpu.dma_semaphore, #tpu.memory_space<semaphore_mem>>
      %dma_start3A_85 = tpu.memref_slice %arg3[%mul3A_2] : memref<32768xi32, #tpu.memory_space<hbm>> -> memref<256xi32, #tpu.memory_space<hbm>>
      %dma_start3A_86 = tpu.memref_slice %arg3[%mul3A_2] : memref<32768xi32, #tpu.memory_space<hbm>> -> memref<256xi32, #tpu.memory_space<hbm>>
      tpu.enqueue_dma source(%dma_start3A_86 : memref<256xi32, #tpu.memory_space<hbm>>) target(%arg5 : memref<256xi32, #tpu.memory_space<vmem>>) target_semaphore(%run_scoped3A : memref<!tpu.dma_semaphore, #tpu.memory_space<semaphore_mem>>)
      %dma_wait3A_87 = tpu.memref_slice %arg3[%mul3A_2] : memref<32768xi32, #tpu.memory_space<hbm>> -> memref<256xi32, #tpu.memory_space<hbm>>
      %dma_wait3A_88 = tpu.memref_slice %arg3[%mul3A_2] : memref<32768xi32, #tpu.memory_space<hbm>> -> memref<256xi32, #tpu.memory_space<hbm>>
      tpu.wait_dma2 semaphore(%run_scoped3A : memref<!tpu.dma_semaphore, #tpu.memory_space<semaphore_mem>>) src(%dma_wait3A_88 : memref<256xi32, #tpu.memory_space<hbm>>) dst(%arg5 : memref<256xi32, #tpu.memory_space<vmem>>)
      tpu.yield
    }) : () -> ()
    %dma_start3A = arith.constant 0 : i32
    %dma_start3A_3 = arith.constant 0 : i32
    %dma_start3A_4 = tpu.memref_slice %arg2[%dma_start3A, %dma_start3A_3] : memref<10008x128xf32, #tpu.memory_space<hbm>> -> memref<10008x128xf32, #tpu.memory_space<hbm>>
    tpu.enqueue_indirect_dma source(%dma_start3A_4 : memref<10008x128xf32, #tpu.memory_space<hbm>>) target(%arg7 : memref<256x128xf32, #tpu.memory_space<vmem>>) offsets(%arg5 : memref<256xi32, #tpu.memory_space<vmem>>) semaphore(%arg9 : memref<!tpu.dma_semaphore, #tpu.memory_space<semaphore_mem>>)
    %mul3A_5 = arith.constant 1024 : i32
    %mul3A_6 = arith.muli %add3A, %mul3A_5 : i32
    %add3A_7 = arith.constant 256 : i32
    %add3A_8 = arith.addi %mul3A_6, %add3A_7 : i32
    "tpu.region"() ({
      %run_scoped3A = tpu.sem_alloc : memref<!tpu.dma_semaphore, #tpu.memory_space<semaphore_mem>>
      %dma_start3A_85 = tpu.memref_slice %arg3[%add3A_8] : memref<32768xi32, #tpu.memory_space<hbm>> -> memref<256xi32, #tpu.memory_space<hbm>>
      %dma_start3A_86 = tpu.memref_slice %arg3[%add3A_8] : memref<32768xi32, #tpu.memory_space<hbm>> -> memref<256xi32, #tpu.memory_space<hbm>>
      tpu.enqueue_dma source(%dma_start3A_86 : memref<256xi32, #tpu.memory_space<hbm>>) target(%arg6 : memref<256xi32, #tpu.memory_space<vmem>>) target_semaphore(%run_scoped3A : memref<!tpu.dma_semaphore, #tpu.memory_space<semaphore_mem>>)
      %dma_wait3A_87 = tpu.memref_slice %arg3[%add3A_8] : memref<32768xi32, #tpu.memory_space<hbm>> -> memref<256xi32, #tpu.memory_space<hbm>>
      %dma_wait3A_88 = tpu.memref_slice %arg3[%add3A_8] : memref<32768xi32, #tpu.memory_space<hbm>> -> memref<256xi32, #tpu.memory_space<hbm>>
      tpu.wait_dma2 semaphore(%run_scoped3A : memref<!tpu.dma_semaphore, #tpu.memory_space<semaphore_mem>>) src(%dma_wait3A_88 : memref<256xi32, #tpu.memory_space<hbm>>) dst(%arg6 : memref<256xi32, #tpu.memory_space<vmem>>)
      tpu.yield
    }) : () -> ()
    %dma_start3A_9 = arith.constant 0 : i32
    %dma_start3A_10 = arith.constant 0 : i32
    %dma_start3A_11 = tpu.memref_slice %arg2[%dma_start3A_9, %dma_start3A_10] : memref<10008x128xf32, #tpu.memory_space<hbm>> -> memref<10008x128xf32, #tpu.memory_space<hbm>>
    tpu.enqueue_indirect_dma source(%dma_start3A_11 : memref<10008x128xf32, #tpu.memory_space<hbm>>) target(%arg8 : memref<256x128xf32, #tpu.memory_space<vmem>>) offsets(%arg6 : memref<256xi32, #tpu.memory_space<vmem>>) semaphore(%arg10 : memref<!tpu.dma_semaphore, #tpu.memory_space<semaphore_mem>>)
    %dma_wait3A = arith.constant 0 : i32
    %dma_wait3A_12 = arith.constant 0 : i32
    %dma_wait3A_13 = tpu.memref_slice %arg2[%dma_wait3A, %dma_wait3A_12] : memref<10008x128xf32, #tpu.memory_space<hbm>> -> memref<10008x128xf32, #tpu.memory_space<hbm>>
    tpu.wait_indirect_dma semaphore(%arg9 : memref<!tpu.dma_semaphore, #tpu.memory_space<semaphore_mem>>) src(%dma_wait3A_13 : memref<10008x128xf32, #tpu.memory_space<hbm>>) dst(%arg7 : memref<256x128xf32, #tpu.memory_space<vmem>>)
    %mul3A_14 = arith.constant 1024 : i32
    %mul3A_15 = arith.muli %add3A, %mul3A_14 : i32
    %add3A_16 = arith.constant 0 : i32
    %add3A_17 = arith.addi %mul3A_15, %add3A_16 : i32
    %dma_start3A_18 = arith.constant 0 : i32
    %dma_start3A_19 = tpu.memref_slice %arg4[%add3A_17, %dma_start3A_18] : memref<32768x128xf32, #tpu.memory_space<hbm>> -> memref<256x128xf32, #tpu.memory_space<hbm>>
    %dma_start3A_20 = arith.constant 0 : i32
    %dma_start3A_21 = tpu.memref_slice %arg4[%add3A_17, %dma_start3A_20] : memref<32768x128xf32, #tpu.memory_space<hbm>> -> memref<256x128xf32, #tpu.memory_space<hbm>>
    tpu.enqueue_dma source(%arg7 : memref<256x128xf32, #tpu.memory_space<vmem>>) target(%dma_start3A_21 : memref<256x128xf32, #tpu.memory_space<hbm>>) target_semaphore(%arg11 : memref<!tpu.dma_semaphore, #tpu.memory_space<semaphore_mem>>)
    %mul3A_22 = arith.constant 1024 : i32
    %mul3A_23 = arith.muli %add3A, %mul3A_22 : i32
    %add3A_24 = arith.constant 512 : i32
    %add3A_25 = arith.addi %mul3A_23, %add3A_24 : i32
    "tpu.region"() ({
      %run_scoped3A = tpu.sem_alloc : memref<!tpu.dma_semaphore, #tpu.memory_space<semaphore_mem>>
      %dma_start3A_85 = tpu.memref_slice %arg3[%add3A_25] : memref<32768xi32, #tpu.memory_space<hbm>> -> memref<256xi32, #tpu.memory_space<hbm>>
      %dma_start3A_86 = tpu.memref_slice %arg3[%add3A_25] : memref<32768xi32, #tpu.memory_space<hbm>> -> memref<256xi32, #tpu.memory_space<hbm>>
      tpu.enqueue_dma source(%dma_start3A_86 : memref<256xi32, #tpu.memory_space<hbm>>) target(%arg5 : memref<256xi32, #tpu.memory_space<vmem>>) target_semaphore(%run_scoped3A : memref<!tpu.dma_semaphore, #tpu.memory_space<semaphore_mem>>)
      %dma_wait3A_87 = tpu.memref_slice %arg3[%add3A_25] : memref<32768xi32, #tpu.memory_space<hbm>> -> memref<256xi32, #tpu.memory_space<hbm>>
      %dma_wait3A_88 = tpu.memref_slice %arg3[%add3A_25] : memref<32768xi32, #tpu.memory_space<hbm>> -> memref<256xi32, #tpu.memory_space<hbm>>
      tpu.wait_dma2 semaphore(%run_scoped3A : memref<!tpu.dma_semaphore, #tpu.memory_space<semaphore_mem>>) src(%dma_wait3A_88 : memref<256xi32, #tpu.memory_space<hbm>>) dst(%arg5 : memref<256xi32, #tpu.memory_space<vmem>>)
      tpu.yield
    }) : () -> ()
    %dma_wait3A_26 = arith.constant 0 : i32
    %dma_wait3A_27 = tpu.memref_slice %arg4[%add3A_17, %dma_wait3A_26] : memref<32768x128xf32, #tpu.memory_space<hbm>> -> memref<256x128xf32, #tpu.memory_space<hbm>>
    %dma_wait3A_28 = arith.constant 0 : i32
    %dma_wait3A_29 = tpu.memref_slice %arg4[%add3A_17, %dma_wait3A_28] : memref<32768x128xf32, #tpu.memory_space<hbm>> -> memref<256x128xf32, #tpu.memory_space<hbm>>
    tpu.wait_dma2 semaphore(%arg11 : memref<!tpu.dma_semaphore, #tpu.memory_space<semaphore_mem>>) src(%arg7 : memref<256x128xf32, #tpu.memory_space<vmem>>) dst(%dma_wait3A_29 : memref<256x128xf32, #tpu.memory_space<hbm>>)
    %dma_start3A_30 = arith.constant 0 : i32
    %dma_start3A_31 = arith.constant 0 : i32
    %dma_start3A_32 = tpu.memref_slice %arg2[%dma_start3A_30, %dma_start3A_31] : memref<10008x128xf32, #tpu.memory_space<hbm>> -> memref<10008x128xf32, #tpu.memory_space<hbm>>
    tpu.enqueue_indirect_dma source(%dma_start3A_32 : memref<10008x128xf32, #tpu.memory_space<hbm>>) target(%arg7 : memref<256x128xf32, #tpu.memory_space<vmem>>) offsets(%arg5 : memref<256xi32, #tpu.memory_space<vmem>>) semaphore(%arg9 : memref<!tpu.dma_semaphore, #tpu.memory_space<semaphore_mem>>)
    %dma_wait3A_33 = arith.constant 0 : i32
    %dma_wait3A_34 = arith.constant 0 : i32
    %dma_wait3A_35 = tpu.memref_slice %arg2[%dma_wait3A_33, %dma_wait3A_34] : memref<10008x128xf32, #tpu.memory_space<hbm>> -> memref<10008x128xf32, #tpu.memory_space<hbm>>
    tpu.wait_indirect_dma semaphore(%arg10 : memref<!tpu.dma_semaphore, #tpu.memory_space<semaphore_mem>>) src(%dma_wait3A_35 : memref<10008x128xf32, #tpu.memory_space<hbm>>) dst(%arg8 : memref<256x128xf32, #tpu.memory_space<vmem>>)
    %mul3A_36 = arith.constant 1024 : i32
    %mul3A_37 = arith.muli %add3A, %mul3A_36 : i32
    %add3A_38 = arith.constant 256 : i32
    %add3A_39 = arith.addi %mul3A_37, %add3A_38 : i32
    %dma_start3A_40 = arith.constant 0 : i32
    %dma_start3A_41 = tpu.memref_slice %arg4[%add3A_39, %dma_start3A_40] : memref<32768x128xf32, #tpu.memory_space<hbm>> -> memref<256x128xf32, #tpu.memory_space<hbm>>
    %dma_start3A_42 = arith.constant 0 : i32
    %dma_start3A_43 = tpu.memref_slice %arg4[%add3A_39, %dma_start3A_42] : memref<32768x128xf32, #tpu.memory_space<hbm>> -> memref<256x128xf32, #tpu.memory_space<hbm>>
    tpu.enqueue_dma source(%arg8 : memref<256x128xf32, #tpu.memory_space<vmem>>) target(%dma_start3A_43 : memref<256x128xf32, #tpu.memory_space<hbm>>) target_semaphore(%arg12 : memref<!tpu.dma_semaphore, #tpu.memory_space<semaphore_mem>>)
    %mul3A_44 = arith.constant 1024 : i32
    %mul3A_45 = arith.muli %add3A, %mul3A_44 : i32
    %add3A_46 = arith.constant 768 : i32
    %add3A_47 = arith.addi %mul3A_45, %add3A_46 : i32
    "tpu.region"() ({
      %run_scoped3A = tpu.sem_alloc : memref<!tpu.dma_semaphore, #tpu.memory_space<semaphore_mem>>
      %dma_start3A_85 = tpu.memref_slice %arg3[%add3A_47] : memref<32768xi32, #tpu.memory_space<hbm>> -> memref<256xi32, #tpu.memory_space<hbm>>
      %dma_start3A_86 = tpu.memref_slice %arg3[%add3A_47] : memref<32768xi32, #tpu.memory_space<hbm>> -> memref<256xi32, #tpu.memory_space<hbm>>
      tpu.enqueue_dma source(%dma_start3A_86 : memref<256xi32, #tpu.memory_space<hbm>>) target(%arg6 : memref<256xi32, #tpu.memory_space<vmem>>) target_semaphore(%run_scoped3A : memref<!tpu.dma_semaphore, #tpu.memory_space<semaphore_mem>>)
      %dma_wait3A_87 = tpu.memref_slice %arg3[%add3A_47] : memref<32768xi32, #tpu.memory_space<hbm>> -> memref<256xi32, #tpu.memory_space<hbm>>
      %dma_wait3A_88 = tpu.memref_slice %arg3[%add3A_47] : memref<32768xi32, #tpu.memory_space<hbm>> -> memref<256xi32, #tpu.memory_space<hbm>>
      tpu.wait_dma2 semaphore(%run_scoped3A : memref<!tpu.dma_semaphore, #tpu.memory_space<semaphore_mem>>) src(%dma_wait3A_88 : memref<256xi32, #tpu.memory_space<hbm>>) dst(%arg6 : memref<256xi32, #tpu.memory_space<vmem>>)
      tpu.yield
    }) : () -> ()
    %dma_wait3A_48 = arith.constant 0 : i32
    %dma_wait3A_49 = tpu.memref_slice %arg4[%add3A_39, %dma_wait3A_48] : memref<32768x128xf32, #tpu.memory_space<hbm>> -> memref<256x128xf32, #tpu.memory_space<hbm>>
    %dma_wait3A_50 = arith.constant 0 : i32
    %dma_wait3A_51 = tpu.memref_slice %arg4[%add3A_39, %dma_wait3A_50] : memref<32768x128xf32, #tpu.memory_space<hbm>> -> memref<256x128xf32, #tpu.memory_space<hbm>>
    tpu.wait_dma2 semaphore(%arg12 : memref<!tpu.dma_semaphore, #tpu.memory_space<semaphore_mem>>) src(%arg8 : memref<256x128xf32, #tpu.memory_space<vmem>>) dst(%dma_wait3A_51 : memref<256x128xf32, #tpu.memory_space<hbm>>)
    %dma_start3A_52 = arith.constant 0 : i32
    %dma_start3A_53 = arith.constant 0 : i32
    %dma_start3A_54 = tpu.memref_slice %arg2[%dma_start3A_52, %dma_start3A_53] : memref<10008x128xf32, #tpu.memory_space<hbm>> -> memref<10008x128xf32, #tpu.memory_space<hbm>>
    tpu.enqueue_indirect_dma source(%dma_start3A_54 : memref<10008x128xf32, #tpu.memory_space<hbm>>) target(%arg8 : memref<256x128xf32, #tpu.memory_space<vmem>>) offsets(%arg6 : memref<256xi32, #tpu.memory_space<vmem>>) semaphore(%arg10 : memref<!tpu.dma_semaphore, #tpu.memory_space<semaphore_mem>>)
    %dma_wait3A_55 = arith.constant 0 : i32
    %dma_wait3A_56 = arith.constant 0 : i32
    %dma_wait3A_57 = tpu.memref_slice %arg2[%dma_wait3A_55, %dma_wait3A_56] : memref<10008x128xf32, #tpu.memory_space<hbm>> -> memref<10008x128xf32, #tpu.memory_space<hbm>>
    tpu.wait_indirect_dma semaphore(%arg9 : memref<!tpu.dma_semaphore, #tpu.memory_space<semaphore_mem>>) src(%dma_wait3A_57 : memref<10008x128xf32, #tpu.memory_space<hbm>>) dst(%arg7 : memref<256x128xf32, #tpu.memory_space<vmem>>)
    %mul3A_58 = arith.constant 1024 : i32
    %mul3A_59 = arith.muli %add3A, %mul3A_58 : i32
    %add3A_60 = arith.constant 512 : i32
    %add3A_61 = arith.addi %mul3A_59, %add3A_60 : i32
    %dma_start3A_62 = arith.constant 0 : i32
    %dma_start3A_63 = tpu.memref_slice %arg4[%add3A_61, %dma_start3A_62] : memref<32768x128xf32, #tpu.memory_space<hbm>> -> memref<256x128xf32, #tpu.memory_space<hbm>>
    %dma_start3A_64 = arith.constant 0 : i32
    %dma_start3A_65 = tpu.memref_slice %arg4[%add3A_61, %dma_start3A_64] : memref<32768x128xf32, #tpu.memory_space<hbm>> -> memref<256x128xf32, #tpu.memory_space<hbm>>
    tpu.enqueue_dma source(%arg7 : memref<256x128xf32, #tpu.memory_space<vmem>>) target(%dma_start3A_65 : memref<256x128xf32, #tpu.memory_space<hbm>>) target_semaphore(%arg11 : memref<!tpu.dma_semaphore, #tpu.memory_space<semaphore_mem>>)
    %dma_wait3A_66 = arith.constant 0 : i32
    %dma_wait3A_67 = arith.constant 0 : i32
    %dma_wait3A_68 = tpu.memref_slice %arg2[%dma_wait3A_66, %dma_wait3A_67] : memref<10008x128xf32, #tpu.memory_space<hbm>> -> memref<10008x128xf32, #tpu.memory_space<hbm>>
    tpu.wait_indirect_dma semaphore(%arg10 : memref<!tpu.dma_semaphore, #tpu.memory_space<semaphore_mem>>) src(%dma_wait3A_68 : memref<10008x128xf32, #tpu.memory_space<hbm>>) dst(%arg8 : memref<256x128xf32, #tpu.memory_space<vmem>>)
    %mul3A_69 = arith.constant 1024 : i32
    %mul3A_70 = arith.muli %add3A, %mul3A_69 : i32
    %add3A_71 = arith.constant 768 : i32
    %add3A_72 = arith.addi %mul3A_70, %add3A_71 : i32
    %dma_start3A_73 = arith.constant 0 : i32
    %dma_start3A_74 = tpu.memref_slice %arg4[%add3A_72, %dma_start3A_73] : memref<32768x128xf32, #tpu.memory_space<hbm>> -> memref<256x128xf32, #tpu.memory_space<hbm>>
    %dma_start3A_75 = arith.constant 0 : i32
    %dma_start3A_76 = tpu.memref_slice %arg4[%add3A_72, %dma_start3A_75] : memref<32768x128xf32, #tpu.memory_space<hbm>> -> memref<256x128xf32, #tpu.memory_space<hbm>>
    tpu.enqueue_dma source(%arg8 : memref<256x128xf32, #tpu.memory_space<vmem>>) target(%dma_start3A_76 : memref<256x128xf32, #tpu.memory_space<hbm>>) target_semaphore(%arg12 : memref<!tpu.dma_semaphore, #tpu.memory_space<semaphore_mem>>)
    %dma_wait3A_77 = arith.constant 0 : i32
    %dma_wait3A_78 = tpu.memref_slice %arg4[%add3A_61, %dma_wait3A_77] : memref<32768x128xf32, #tpu.memory_space<hbm>> -> memref<256x128xf32, #tpu.memory_space<hbm>>
    %dma_wait3A_79 = arith.constant 0 : i32
    %dma_wait3A_80 = tpu.memref_slice %arg4[%add3A_61, %dma_wait3A_79] : memref<32768x128xf32, #tpu.memory_space<hbm>> -> memref<256x128xf32, #tpu.memory_space<hbm>>
    tpu.wait_dma2 semaphore(%arg11 : memref<!tpu.dma_semaphore, #tpu.memory_space<semaphore_mem>>) src(%arg7 : memref<256x128xf32, #tpu.memory_space<vmem>>) dst(%dma_wait3A_80 : memref<256x128xf32, #tpu.memory_space<hbm>>)
    %dma_wait3A_81 = arith.constant 0 : i32
    %dma_wait3A_82 = tpu.memref_slice %arg4[%add3A_72, %dma_wait3A_81] : memref<32768x128xf32, #tpu.memory_space<hbm>> -> memref<256x128xf32, #tpu.memory_space<hbm>>
    %dma_wait3A_83 = arith.constant 0 : i32
    %dma_wait3A_84 = tpu.memref_slice %arg4[%add3A_72, %dma_wait3A_83] : memref<32768x128xf32, #tpu.memory_space<hbm>> -> memref<256x128xf32, #tpu.memory_space<hbm>>
    tpu.wait_dma2 semaphore(%arg12 : memref<!tpu.dma_semaphore, #tpu.memory_space<semaphore_mem>>) src(%arg8 : memref<256x128xf32, #tpu.memory_space<vmem>>) dst(%dma_wait3A_84 : memref<256x128xf32, #tpu.memory_space<hbm>>)
    return
  }
}

module attributes {stable_mosaic.version = 14 : i64} {
  func.func @_table_body(%arg0: memref<10000x128xf32, #tpu.memory_space<vmem>>, %arg1: memref<1x128xf32, #tpu.memory_space<vmem>>, %arg2: memref<128x128xf32, #tpu.memory_space<vmem>>, %arg3: memref<10008x128xf32, #tpu.memory_space<vmem>>) attributes {dimension_semantics = [], scalar_prefetch = 0 : i64, scratch_operands = 0 : i64, tpu.core_type = #tpu.core_type<tc>} {
    %get3A = arith.constant 0 : index
    %get3A_0 = arith.constant 0 : index
    %get3A_1 = vector.load %arg2[%get3A, %get3A_0] : memref<128x128xf32, #tpu.memory_space<vmem>>, vector<128x128xf32>
    %get3A_2 = arith.constant 0 : index
    %get3A_3 = arith.constant 0 : index
    %get3A_4 = vector.load %arg0[%get3A_2, %get3A_3] : memref<10000x128xf32, #tpu.memory_space<vmem>>, vector<10000x128xf32>
    %convert_element_type3A = arith.truncf %get3A_4 : vector<10000x128xf32> to vector<10000x128xbf16>
    %dot_general3A = arith.constant dense<0.000000e+00> : vector<10000x128xf32>
    %dot_general3A_5 = tpu.matmul %convert_element_type3A, %get3A_1, %dot_general3A {dimension_numbers = #tpu.dot_dimension_numbers<[1], [0], [0], [1], [0, 0, 1, 1], [], []>, transpose_lhs_hint = false} : vector<10000x128xbf16>, vector<128x128xf32>, vector<10000x128xf32> -> vector<10000x128xf32>
    %swap3A = arith.constant 0 : index
    %swap3A_6 = arith.constant 0 : index
    %swap3A_7 = vector.load %arg3[%swap3A, %swap3A_6] : memref<10008x128xf32, #tpu.memory_space<vmem>>, vector<10000x128xf32>
    tpu.vector_store %arg3[%swap3A, %swap3A_6], %dot_general3A_5 {strides = array<i32>} : memref<10008x128xf32, #tpu.memory_space<vmem>>, vector<10000x128xf32>,
    %get3A_8 = arith.constant 0 : index
    %get3A_9 = arith.constant 0 : index
    %get3A_10 = vector.load %arg1[%get3A_8, %get3A_9] : memref<1x128xf32, #tpu.memory_space<vmem>>, vector<1x128xf32>
    %broadcast_in_dim3A = vector.shape_cast %get3A_10 : vector<1x128xf32> to vector<1x128xf32>
    %broadcast_in_dim3A_11 = vector.broadcast %broadcast_in_dim3A : vector<1x128xf32> to vector<8x128xf32>
    %convert_element_type3A_12 = arith.truncf %broadcast_in_dim3A_11 : vector<8x128xf32> to vector<8x128xbf16>
    %dot_general3A_13 = arith.constant dense<0.000000e+00> : vector<8x128xf32>
    %dot_general3A_14 = tpu.matmul %convert_element_type3A_12, %get3A_1, %dot_general3A_13 {dimension_numbers = #tpu.dot_dimension_numbers<[1], [0], [0], [1], [0, 0, 1, 1], [], []>, transpose_lhs_hint = false} : vector<8x128xbf16>, vector<128x128xf32>, vector<8x128xf32> -> vector<8x128xf32>
    %swap3A_15 = arith.constant 10000 : index
    %swap3A_16 = arith.constant 0 : index
    %swap3A_17 = vector.load %arg3[%swap3A_15, %swap3A_16] : memref<10008x128xf32, #tpu.memory_space<vmem>>, vector<8x128xf32>
    tpu.vector_store %arg3[%swap3A_15, %swap3A_16], %dot_general3A_14 {strides = array<i32>} : memref<10008x128xf32, #tpu.memory_space<vmem>>, vector<8x128xf32>,
    return
  }
}

module attributes {stable_mosaic.version = 14 : i64} {
  func.func @_mlp_body(%arg0: i32, %arg1: memref<256x128xf32, #tpu.memory_space<vmem>>, %arg2: memref<8192x128xf32, #tpu.memory_space<vmem>>, %arg3: memref<128x128xf32, #tpu.memory_space<vmem>>, %arg4: memref<1x128xf32, #tpu.memory_space<vmem>>, %arg5: memref<128x32xf32, #tpu.memory_space<vmem>>, %arg6: memref<1x32xf32, #tpu.memory_space<vmem>>, %arg7: memref<1x32xf32, #tpu.memory_space<vmem>>, %arg8: memref<1x32xf32, #tpu.memory_space<vmem>>, %arg9: memref<32x1xf32, #tpu.memory_space<vmem>>, %arg10: memref<128x64xf32, #tpu.memory_space<vmem>>) attributes {dimension_semantics = [#tpu.dimension_semantics<arbitrary>], iteration_bounds = array<i64: 4>, scalar_prefetch = 0 : i64, scratch_operands = 0 : i64, tpu.core_type = #tpu.core_type<tc>, window_params = [{transform_indices = @transform_0, window_bounds = array<i64: 256, 128>}, {transform_indices = @transform_1, window_bounds = array<i64: 8192, 128>}, {pipeline_mode = #tpu.pipeline_mode<synchronous>, transform_indices = @transform_2, window_bounds = array<i64: 128, 128>}, {pipeline_mode = #tpu.pipeline_mode<synchronous>, transform_indices = @transform_3, window_bounds = array<i64: 1, 128>}, {pipeline_mode = #tpu.pipeline_mode<synchronous>, transform_indices = @transform_4, window_bounds = array<i64: 128, 32>}, {pipeline_mode = #tpu.pipeline_mode<synchronous>, transform_indices = @transform_5, window_bounds = array<i64: 1, 32>}, {pipeline_mode = #tpu.pipeline_mode<synchronous>, transform_indices = @transform_6, window_bounds = array<i64: 1, 32>}, {pipeline_mode = #tpu.pipeline_mode<synchronous>, transform_indices = @transform_7, window_bounds = array<i64: 1, 32>}, {pipeline_mode = #tpu.pipeline_mode<synchronous>, transform_indices = @transform_8, window_bounds = array<i64: 32, 1>}, {transform_indices = @transform_9, window_bounds = array<i64: 128, 64>}]} {
    %get3A = arith.constant 0 : index
    %get3A_0 = arith.constant 0 : index
    %get3A_1 = vector.load %arg1[%get3A, %get3A_0] : memref<256x128xf32, #tpu.memory_space<vmem>>, vector<256x128xf32>
    %reshape3A = vector.shape_cast %get3A_1 : vector<256x128xf32> to vector<128x2x128xf32>
    %slice3A = vector.extract_strided_slice %reshape3A {offsets = [0, 0, 0], sizes = [128, 1, 128], strides = [1, 1, 1]} : vector<128x2x128xf32> to vector<128x1x128xf32>
    %squeeze3A = vector.shape_cast %slice3A : vector<128x1x128xf32> to vector<128x128xf32>
    %slice3A_2 = vector.extract_strided_slice %reshape3A {offsets = [0, 1, 0], sizes = [128, 1, 128], strides = [1, 1, 1]} : vector<128x2x128xf32> to vector<128x1x128xf32>
    %squeeze3A_3 = vector.shape_cast %slice3A_2 : vector<128x1x128xf32> to vector<128x128xf32>
    %add3A = arith.addf %squeeze3A, %squeeze3A_3 : vector<128x128xf32>
    %mul3A = arith.constant 5.000000e-01 : f32
    %mul3A_4 = vector.broadcast %mul3A : f32 to vector<128x128xf32>
    %mul3A_5 = arith.mulf %add3A, %mul3A_4 : vector<128x128xf32>
    %convert_element_type3A = arith.truncf %mul3A_5 : vector<128x128xf32> to vector<128x128xbf16>
    %get3A_6 = arith.constant 0 : index
    %get3A_7 = arith.constant 0 : index
    %get3A_8 = vector.load %arg3[%get3A_6, %get3A_7] : memref<128x128xf32, #tpu.memory_space<vmem>>, vector<128x128xf32>
    %dot_general3A = arith.constant dense<0.000000e+00> : vector<128x128xf32>
    %dot_general3A_9 = tpu.matmul %convert_element_type3A, %get3A_8, %dot_general3A {dimension_numbers = #tpu.dot_dimension_numbers<[1], [0], [0], [1], [0, 0, 1, 1], [], []>, transpose_lhs_hint = false} : vector<128x128xbf16>, vector<128x128xf32>, vector<128x128xf32> -> vector<128x128xf32>
    %broadcast_in_dim3A = vector.shape_cast %dot_general3A_9 : vector<128x128xf32> to vector<128x1x128xf32>
    %broadcast_in_dim3A_10 = vector.shape_cast %broadcast_in_dim3A : vector<128x1x128xf32> to vector<128x1x128xf32>
    %broadcast_in_dim3A_11 = vector.broadcast %broadcast_in_dim3A_10 : vector<128x1x128xf32> to vector<128x64x128xf32>
    %reshape3A_12 = vector.shape_cast %broadcast_in_dim3A_11 : vector<128x64x128xf32> to vector<8192x128xf32>
    %broadcast_in_dim3A_13 = vector.shape_cast %mul3A_5 : vector<128x128xf32> to vector<128x1x128xf32>
    %broadcast_in_dim3A_14 = vector.shape_cast %broadcast_in_dim3A_13 : vector<128x1x128xf32> to vector<128x1x128xf32>
    %broadcast_in_dim3A_15 = vector.broadcast %broadcast_in_dim3A_14 : vector<128x1x128xf32> to vector<128x64x128xf32>
    %reshape3A_16 = vector.shape_cast %broadcast_in_dim3A_15 : vector<128x64x128xf32> to vector<8192x128xf32>
    %get3A_17 = arith.constant 0 : index
    %get3A_18 = arith.constant 0 : index
    %get3A_19 = vector.load %arg2[%get3A_17, %get3A_18] : memref<8192x128xf32, #tpu.memory_space<vmem>>, vector<8192x128xf32>
    %add3A_20 = arith.addf %reshape3A_12, %get3A_19 : vector<8192x128xf32>
    %get3A_21 = arith.constant 0 : index
    %get3A_22 = arith.constant 0 : index
    %get3A_23 = vector.load %arg4[%get3A_21, %get3A_22] : memref<1x128xf32, #tpu.memory_space<vmem>>, vector<1x128xf32>
    %add3A_24 = vector.broadcast %get3A_23 : vector<1x128xf32> to vector<8192x128xf32>
    %add3A_25 = arith.addf %add3A_20, %add3A_24 : vector<8192x128xf32>
    %add3A_26 = arith.addf %reshape3A_16, %add3A_25 : vector<8192x128xf32>
    %convert_element_type3A_27 = arith.truncf %add3A_26 : vector<8192x128xf32> to vector<8192x128xbf16>
    %get3A_28 = arith.constant 0 : index
    %get3A_29 = arith.constant 0 : index
    %get3A_30 = vector.load %arg5[%get3A_28, %get3A_29] : memref<128x32xf32, #tpu.memory_space<vmem>>, vector<128x32xf32>
    %dot_general3A_31 = arith.constant dense<0.000000e+00> : vector<8192x32xf32>
    %dot_general3A_32 = tpu.matmul %convert_element_type3A_27, %get3A_30, %dot_general3A_31 {dimension_numbers = #tpu.dot_dimension_numbers<[1], [0], [0], [1], [0, 0, 1, 1], [], []>, transpose_lhs_hint = false} : vector<8192x128xbf16>, vector<128x32xf32>, vector<8192x32xf32> -> vector<8192x32xf32>
    %get3A_33 = arith.constant 0 : index
    %get3A_34 = arith.constant 0 : index
    %get3A_35 = vector.load %arg6[%get3A_33, %get3A_34] : memref<1x32xf32, #tpu.memory_space<vmem>>, vector<1x32xf32>
    %add3A_36 = vector.broadcast %get3A_35 : vector<1x32xf32> to vector<8192x32xf32>
    %add3A_37 = arith.addf %dot_general3A_32, %add3A_36 : vector<8192x32xf32>
    %reduce_sum3A = arith.constant dense<0.000000e+00> : vector<8192xf32>
    %reduce_sum3A_38 = vector.multi_reduction <add>, %add3A_37, %reduce_sum3A [1] : vector<8192x32xf32> to vector<8192xf32>
    %broadcast_in_dim3A_39 = vector.shape_cast %reduce_sum3A_38 : vector<8192xf32> to vector<8192x1xf32>
    %div3A = arith.constant 3.200000e+01 : f32
    %div3A_40 = vector.broadcast %div3A : f32 to vector<8192x1xf32>
    %div3A_41 = arith.divf %broadcast_in_dim3A_39, %div3A_40 : vector<8192x1xf32>
    %sub3A = vector.broadcast %div3A_41 : vector<8192x1xf32> to vector<8192x32xf32>
    %sub3A_42 = arith.subf %add3A_37, %sub3A : vector<8192x32xf32>
    %integer_pow3A = arith.mulf %sub3A_42, %sub3A_42 : vector<8192x32xf32>
    %reduce_sum3A_43 = arith.constant dense<0.000000e+00> : vector<8192xf32>
    %reduce_sum3A_44 = vector.multi_reduction <add>, %integer_pow3A, %reduce_sum3A_43 [1] : vector<8192x32xf32> to vector<8192xf32>
    %broadcast_in_dim3A_45 = vector.shape_cast %reduce_sum3A_44 : vector<8192xf32> to vector<8192x1xf32>
    %div3A_46 = arith.constant 3.200000e+01 : f32
    %div3A_47 = vector.broadcast %div3A_46 : f32 to vector<8192x1xf32>
    %div3A_48 = arith.divf %broadcast_in_dim3A_45, %div3A_47 : vector<8192x1xf32>
    %sub3A_49 = vector.broadcast %div3A_41 : vector<8192x1xf32> to vector<8192x32xf32>
    %sub3A_50 = arith.subf %add3A_37, %sub3A_49 : vector<8192x32xf32>
    %add3A_51 = arith.constant 9.99999974E-6 : f32
    %add3A_52 = vector.broadcast %add3A_51 : f32 to vector<8192x1xf32>
    %add3A_53 = arith.addf %div3A_48, %add3A_52 : vector<8192x1xf32>
    %sqrt3A = math.sqrt %add3A_53 : vector<8192x1xf32>
    %div3A_54 = vector.broadcast %sqrt3A : vector<8192x1xf32> to vector<8192x32xf32>
    %div3A_55 = arith.divf %sub3A_50, %div3A_54 : vector<8192x32xf32>
    %get3A_56 = arith.constant 0 : index
    %get3A_57 = arith.constant 0 : index
    %get3A_58 = vector.load %arg7[%get3A_56, %get3A_57] : memref<1x32xf32, #tpu.memory_space<vmem>>, vector<1x32xf32>
    %mul3A_59 = vector.broadcast %get3A_58 : vector<1x32xf32> to vector<8192x32xf32>
    %mul3A_60 = arith.mulf %div3A_55, %mul3A_59 : vector<8192x32xf32>
    %get3A_61 = arith.constant 0 : index
    %get3A_62 = arith.constant 0 : index
    %get3A_63 = vector.load %arg8[%get3A_61, %get3A_62] : memref<1x32xf32, #tpu.memory_space<vmem>>, vector<1x32xf32>
    %add3A_64 = vector.broadcast %get3A_63 : vector<1x32xf32> to vector<8192x32xf32>
    %add3A_65 = arith.addf %mul3A_60, %add3A_64 : vector<8192x32xf32>
    %tanh3A = math.tanh %add3A_65 : vector<8192x32xf32>
    %get3A_66 = arith.constant 0 : index
    %get3A_67 = arith.constant 0 : index
    %get3A_68 = vector.load %arg9[%get3A_66, %get3A_67] : memref<32x1xf32, #tpu.memory_space<vmem>>, vector<32x1xf32>
    %dot_general3A_69 = arith.constant dense<0.000000e+00> : vector<8192x1xf32>
    %dot_general3A_70 = tpu.matmul %tanh3A, %get3A_68, %dot_general3A_69 {dimension_numbers = #tpu.dot_dimension_numbers<[1], [0], [0], [1], [0, 0, 1, 1], [], []>, transpose_lhs_hint = false} : vector<8192x32xf32>, vector<32x1xf32>, vector<8192x1xf32> -> vector<8192x1xf32>
    %reshape3A_71 = vector.shape_cast %dot_general3A_70 : vector<8192x1xf32> to vector<128x64xf32>
    %swap3A = arith.constant 0 : index
    %swap3A_72 = arith.constant 0 : index
    %swap3A_73 = vector.load %arg10[%swap3A, %swap3A_72] : memref<128x64xf32, #tpu.memory_space<vmem>>, vector<128x64xf32>
    tpu.vector_store %arg10[%swap3A, %swap3A_72], %reshape3A_71 {strides = array<i32>} : memref<128x64xf32, #tpu.memory_space<vmem>>, vector<128x64xf32>,
    return
  }
  func.func @transform_0(%arg0: i32) -> (i32, i32) {
    %c0_i32 = arith.constant 0 : i32
    %c0_i32_0 = arith.constant 0 : i32
    return %arg0, %c0_i32 : i32, i32
  }
  func.func @transform_1(%arg0: i32) -> (i32, i32) {
    %c0_i32 = arith.constant 0 : i32
    %c0_i32_0 = arith.constant 0 : i32
    return %arg0, %c0_i32 : i32, i32
  }
  func.func @transform_2(%arg0: i32) -> (i32, i32) {
    %c0_i32 = arith.constant 0 : i32
    %c0_i32_0 = arith.constant 0 : i32
    %c0_i32_1 = arith.constant 0 : i32
    return %c0_i32, %c0_i32_0 : i32, i32
  }
  func.func @transform_3(%arg0: i32) -> (i32, i32) {
    %c0_i32 = arith.constant 0 : i32
    %c0_i32_0 = arith.constant 0 : i32
    %c0_i32_1 = arith.constant 0 : i32
    return %c0_i32, %c0_i32_0 : i32, i32
  }
  func.func @transform_4(%arg0: i32) -> (i32, i32) {
    %c0_i32 = arith.constant 0 : i32
    %c0_i32_0 = arith.constant 0 : i32
    %c0_i32_1 = arith.constant 0 : i32
    return %c0_i32, %c0_i32_0 : i32, i32
  }
  func.func @transform_5(%arg0: i32) -> (i32, i32) {
    %c0_i32 = arith.constant 0 : i32
    %c0_i32_0 = arith.constant 0 : i32
    %c0_i32_1 = arith.constant 0 : i32
    return %c0_i32, %c0_i32_0 : i32, i32
  }
  func.func @transform_6(%arg0: i32) -> (i32, i32) {
    %c0_i32 = arith.constant 0 : i32
    %c0_i32_0 = arith.constant 0 : i32
    %c0_i32_1 = arith.constant 0 : i32
    return %c0_i32, %c0_i32_0 : i32, i32
  }
  func.func @transform_7(%arg0: i32) -> (i32, i32) {
    %c0_i32 = arith.constant 0 : i32
    %c0_i32_0 = arith.constant 0 : i32
    %c0_i32_1 = arith.constant 0 : i32
    return %c0_i32, %c0_i32_0 : i32, i32
  }
  func.func @transform_8(%arg0: i32) -> (i32, i32) {
    %c0_i32 = arith.constant 0 : i32
    %c0_i32_0 = arith.constant 0 : i32
    %c0_i32_1 = arith.constant 0 : i32
    return %c0_i32, %c0_i32_0 : i32, i32
  }
  func.func @transform_9(%arg0: i32) -> (i32, i32) {
    %c0_i32 = arith.constant 0 : i32
    %c0_i32_0 = arith.constant 0 : i32
    return %arg0, %c0_i32 : i32, i32
  }
}

module attributes {stable_mosaic.version = 14 : i64} {
  func.func @_sample_body(%arg0: memref<1024x64xf32, #tpu.memory_space<vmem>>, %arg1: memref<1x1xf32, #tpu.memory_space<vmem>>, %arg2: memref<1024x64xf32, #tpu.memory_space<vmem>>, %arg3: memref<1024x64xi32, #tpu.memory_space<vmem>>, %arg4: memref<1024x64xf32, #tpu.memory_space<vmem>>, %arg5: memref<1024x1xi32, #tpu.memory_space<vmem>>) attributes {dimension_semantics = [], scalar_prefetch = 0 : i64, scratch_operands = 0 : i64, tpu.core_type = #tpu.core_type<tc>} {
    %get3A = arith.constant 0 : index
    %get3A_0 = arith.constant 0 : index
    %get3A_1 = vector.load %arg0[%get3A, %get3A_0] : memref<1024x64xf32, #tpu.memory_space<vmem>>, vector<1024x64xf32>
    %get3A_2 = arith.constant 0 : index
    %get3A_3 = arith.constant 0 : index
    %get3A_4 = vector.load %arg1[%get3A_2, %get3A_3] : memref<1x1xf32, #tpu.memory_space<vmem>>, vector<1x1xf32>
    %get3A_5 = vector.extract %get3A_4[0, 0] : f32 from vector<1x1xf32>
    %add3A = vector.broadcast %get3A_5 : f32 to vector<1024x64xf32>
    %add3A_6 = arith.addf %get3A_1, %add3A : vector<1024x64xf32>
    %reduce_max3A = arith.constant dense<0xFF800000> : vector<1024xf32>
    %reduce_max3A_7 = vector.multi_reduction <maximumf>, %add3A_6, %reduce_max3A [1] : vector<1024x64xf32> to vector<1024xf32>
    %broadcast_in_dim3A = vector.shape_cast %reduce_max3A_7 : vector<1024xf32> to vector<1024x1xf32>
    %sub3A = vector.broadcast %broadcast_in_dim3A : vector<1024x1xf32> to vector<1024x64xf32>
    %sub3A_8 = arith.subf %add3A_6, %sub3A : vector<1024x64xf32>
    %exp3A = math.exp %sub3A_8 : vector<1024x64xf32>
    %reduce_sum3A = arith.constant dense<0.000000e+00> : vector<1024xf32>
    %reduce_sum3A_9 = vector.multi_reduction <add>, %exp3A, %reduce_sum3A [1] : vector<1024x64xf32> to vector<1024xf32>
    %broadcast_in_dim3A_10 = vector.shape_cast %reduce_sum3A_9 : vector<1024xf32> to vector<1024x1xf32>
    %div3A = vector.broadcast %broadcast_in_dim3A_10 : vector<1024x1xf32> to vector<1024x64xf32>
    %div3A_11 = arith.divf %exp3A, %div3A : vector<1024x64xf32>
    %swap3A = arith.constant 0 : index
    %swap3A_12 = arith.constant 0 : index
    %swap3A_13 = vector.load %arg4[%swap3A, %swap3A_12] : memref<1024x64xf32, #tpu.memory_space<vmem>>, vector<1024x64xf32>
    tpu.vector_store %arg4[%swap3A, %swap3A_12], %div3A_11 {strides = array<i32>} : memref<1024x64xf32, #tpu.memory_space<vmem>>, vector<1024x64xf32>,
    %get3A_14 = arith.constant 0 : index
    %get3A_15 = arith.constant 0 : index
    %get3A_16 = vector.load %arg2[%get3A_14, %get3A_15] : memref<1024x64xf32, #tpu.memory_space<vmem>>, vector<1024x64xf32>
    %add3A_17 = arith.constant 9.99999968E-21 : f32
    %add3A_18 = vector.broadcast %add3A_17 : f32 to vector<1024x64xf32>
    %add3A_19 = arith.addf %div3A_11, %add3A_18 : vector<1024x64xf32>
    %log3A = math.log %add3A_19 : vector<1024x64xf32>
    %add3A_20 = arith.addf %get3A_16, %log3A : vector<1024x64xf32>
    %reduce_max3A_21 = arith.constant dense<0xFF800000> : vector<1024xf32>
    %reduce_max3A_22 = vector.multi_reduction <maximumf>, %add3A_20, %reduce_max3A_21 [1] : vector<1024x64xf32> to vector<1024xf32>
    %broadcast_in_dim3A_23 = vector.shape_cast %reduce_max3A_22 : vector<1024xf32> to vector<1024x1xf32>
    %iota3A = tpu.iota {dimensions = array<i32: 1>} : vector<1024x64xi32>
    %eq3A = vector.broadcast %broadcast_in_dim3A_23 : vector<1024x1xf32> to vector<1024x64xf32>
    %eq3A_24 = arith.cmpf oeq, %add3A_20, %eq3A : vector<1024x64xf32>
    %jit3A = arith.constant 64 : i32
    %broadcast_in_dim3A_25 = vector.broadcast %jit3A : i32 to vector<1024x64xi32>
    %select_n3A = arith.select %eq3A_24, %iota3A, %broadcast_in_dim3A_25 : vector<1024x64xi1>, vector<1024x64xi32>
    %reduce_min3A = arith.constant dense<2147483647> : vector<1024xi32>
    %reduce_min3A_26 = vector.multi_reduction <minsi>, %select_n3A, %reduce_min3A [1] : vector<1024x64xi32> to vector<1024xi32>
    %broadcast_in_dim3A_27 = vector.shape_cast %reduce_min3A_26 : vector<1024xi32> to vector<1024x1xi32>
    %eq3A_28 = vector.broadcast %broadcast_in_dim3A_27 : vector<1024x1xi32> to vector<1024x64xi32>
    %eq3A_29 = arith.cmpi eq, %iota3A, %eq3A_28 : vector<1024x64xi32>
    %get3A_30 = arith.constant 0 : index
    %get3A_31 = arith.constant 0 : index
    %get3A_32 = vector.load %arg3[%get3A_30, %get3A_31] : memref<1024x64xi32, #tpu.memory_space<vmem>>, vector<1024x64xi32>
    %jit3A_33 = arith.constant 0 : i32
    %broadcast_in_dim3A_34 = vector.broadcast %jit3A_33 : i32 to vector<1024x64xi32>
    %select_n3A_35 = arith.select %eq3A_29, %get3A_32, %broadcast_in_dim3A_34 : vector<1024x64xi1>, vector<1024x64xi32>
    %reduce_sum3A_36 = arith.constant dense<0> : vector<1024xi32>
    %reduce_sum3A_37 = vector.multi_reduction <add>, %select_n3A_35, %reduce_sum3A_36 [1] : vector<1024x64xi32> to vector<1024xi32>
    %broadcast_in_dim3A_38 = vector.shape_cast %reduce_sum3A_37 : vector<1024xi32> to vector<1024x1xi32>
    %swap3A_39 = arith.constant 0 : index
    %swap3A_40 = arith.constant 0 : index
    %swap3A_41 = vector.load %arg5[%swap3A_39, %swap3A_40] : memref<1024x1xi32, #tpu.memory_space<vmem>>, vector<1024x1xi32>
    tpu.vector_store %arg5[%swap3A_39, %swap3A_40], %broadcast_in_dim3A_38 {strides = array<i32>} : memref<1024x1xi32, #tpu.memory_space<vmem>>, vector<1024x1xi32>,
    return
  }
}

</mosaic_0001>

<sc_bundles>
// kernel: kernel.11.cloned.1.call-start
scs
__scs_entry_jumppad:
0x0: {  	(pc) =	sbr.rel $0x88, $3  }
0x1: {  	(tag) =	ssettag $0x0;
	lr =	simm.s32 $0x1  }
0x2: {  	[smem:$0x3F95] =	sst lr;
	_ =	strace $0xD0000000  }
0x3: {  	_ = 	snop  }
0x4: {  	_ = 	snop  }
0x5: {  	_ = 	snop  }
0x6: {  	_ = 	snop  }
0x7: {  	_ = 	snop  }
__scs_overlays_trampoline_lowered:
0x8: {  	[smem:$0x3FA4] =	sst s0  }
0x9: {  	[smem:$0x3FA5] =	sst s1  }
0xa: {  	[smem:$0x3FA6] =	sst s2  }
0xb: {  	[smem:$0x3FA7] =	sst s3  }
0xc: {  	[smem:$0x3FA8] =	sst s4  }
0xd: {  	[smem:$0x3FA9] =	sst s5  }
0xe: {  	[smem:$0x3FAA] =	sst s6  }
0xf: {  	[smem:$0x3FAB] =	sst s7  }
0x10: {  	[smem:$0x3FAC] =	sst s8  }
0x11: {  	[smem:$0x3FAD] =	sst s9;
	s0 =	simm.s32 @!p0 $0x0  }
0x12: {  	s1 =	sld [smem:$0x3F93];
	s0 =	simm.s32 @p0 $0x1  }
0x13: {  	[smem:$0x3FAE] =	sst s0;
	s0 =	simm.s32 @!p1 $0x0  }
0x14: {  	s2 =	sld [smem:$0x3F92];
	s0 =	simm.s32 @p1 $0x1  }
0x15: {  	[smem:$0x3FAF] =	sst s0;
	s0 =	simm.s32 @!p2 $0x0  }
0x16: {  	s3 =	sld [smem:$0x3FDB];
	s0 =	simm.s32 @p2 $0x1  }
0x17: {  	s4 =	simm.s32 $0x1BF5;
	[smem:$0x3FB1] =	sst s0  }
0x18: {  	s0 =	sld [smem:$0x3F94];
	_ =	swait.ge [sflag:s4], $0x0  }
0x19: {  	s7 =	sld [smem:$0x3F95]  }
0x1a: {  	s8 =	sadd.s32 $0xFFFFE003, lr  }
0x1b: {  	s9 =	sadd.s32 $0xFFFFFEF7, lr;
	s5 =	simm.s32 $0xFFFFFFFF;
	p2 =	slt.u32 s8, $0xFFFFF086  }
0x1c: {  	p1 =	slt.u32 s9, $0xF7A;
	s5 =	simm.s32 @!p2 $0x0  }
0x1d: {  	s5 =	simm.s32 @p1 $0x1;
	p0 =	seq.s32 s7, s2  }
0x1e: {  	s7 =	smul.u32 @!p0 $0xF7A, s2;
	p2 =	seq.s32 @!p0 s5, $0x0  }
0x1f: {  	s9 =	smul.u32 $0xF7A, s1;
	s8 =	simm.s32 @!p0 $0x1BF5;
	p2 =	por !p2, p0  }
0x20: {  	[sflag:s8] =	ssyncset.s32 @!p0 $0xFFFFF086;
	s6 =	sadd.s32 @!p0 s3, s7;
	s7 =	simm.s32 @!p0 $0x108  }
0x21: {  	s3 =	sadd.s32 s3, s9;
	s6 =	sadd.s32 @!p0 $0x88, s6;
	s7 =	simm.s32 @p2 $0x1082  }
0x22: {  	[simem:s7], [sflag:s8] =	dma.local @!p0 [hbm:s6], $0xF7A  }
0x23: {  	s9 =	sor.u32 $0xD0000000, s2;
	s6 =	simm.s32 $0x108;
	_ =	swait.ge @!p0 [sflag:s8], $0x0  }
0x24: {  	s3 =	sadd.s32 $0x88, s3;
	s6 =	simm.s32 @!p1 $0x1082;
	[sflag:s4] =	ssyncset.s32 $0xFFFFF086  }
0x25: {  	[simem:s6], [sflag:s4] =	dma.local [hbm:s3], $0xF7A  }
0x26: {  	[smem:$0x3F95] =	sst s1;
	(tag) =	ssettag s2;
	_ =	strace s9  }
0x27: {  	s1 =	sld [smem:$0x3FA5]  }
0x28: {  	s2 =	sld [smem:$0x3FA6]  }
0x29: {  	s4 =	sld [smem:$0x3FA8]  }
0x2a: {  	p0 =	seq.s32 s5, $0x0;
	s5 =	sld [smem:$0x3FA9]  }
0x2b: {  	s6 =	sld [smem:$0x3FAA]  }
0x2c: {  	s7 =	sld [smem:$0x3FAB]  }
0x2d: {  	s3 =	simm.s32 $0x108;
	s8 =	sld [smem:$0x3FAC]  }
0x2e: {  	s3 =	simm.s32 @!p0 $0x1082;
	s9 =	sld [smem:$0x3FAD]  }
0x2f: {  	lr =	sadd.s32 s0, s3;
	s0 =	sld [smem:$0x3FA4]  }
0x30: {  	s3 =	sld [smem:$0x3FA7]  }
0x31: {  	[smem:$0x3FB0] =	sst s10  }
0x32: {  	s10 =	sld [smem:$0x3FAE];
	_ =	sdelay $0x3  }
0x33: {  	p0 =	seq.s32 s10, $0x1;
	s10 =	sld [smem:$0x3FB0];
	_ =	sdelay $0x3  }
0x34: {  	[smem:$0x3FB0] =	sst s10  }
0x35: {  	s10 =	sld [smem:$0x3FAF];
	_ =	sdelay $0x3  }
0x36: {  	p1 =	seq.s32 s10, $0x1;
	s10 =	sld [smem:$0x3FB0];
	_ =	sdelay $0x3  }
0x37: {  	[smem:$0x3FB0] =	sst s10  }
0x38: {  	s10 =	sld [smem:$0x3FB1]  }
0x39: {  	_ = 	snop;
	(pc) =	sbr.ind lr, $3  }
0x3a: {  	_ = 	snop  }
0x3b: {  	_ = 	snop  }
0x3c: {  	p2 =	seq.s32 s10, $0x1;
	s10 =	sld [smem:$0x3FB0]  }
0x3d: {  	_ =	shalt  }
0x3e: {  	_ =	shalt  }
0x3f: {  	_ =	shalt  }
0x40: {  	_ =	shalt  }
0x41: {  	_ =	shalt  }
0x42: {  	_ =	shalt  }
0x43: {  	_ =	shalt  }
0x44: {  	_ =	shalt  }
0x45: {  	_ =	shalt  }
0x46: {  	_ =	shalt  }
0x47: {  	_ =	shalt  }
0x48: {  	_ =	shalt  }
0x49: {  	_ =	shalt  }
0x4a: {  	_ =	shalt  }
0x4b: {  	_ =	shalt  }
0x4c: {  	_ =	shalt  }
0x4d: {  	_ =	shalt  }
0x4e: {  	_ =	shalt  }
0x4f: {  	_ =	shalt  }
0x50: {  	_ =	shalt  }
0x51: {  	_ =	shalt  }
0x52: {  	_ =	shalt  }
0x53: {  	_ =	shalt  }
0x54: {  	_ =	shalt  }
0x55: {  	_ =	shalt  }
0x56: {  	_ =	shalt  }
0x57: {  	_ =	shalt  }
0x58: {  	_ =	shalt  }
0x59: {  	_ =	shalt  }
0x5a: {  	_ =	shalt  }
0x5b: {  	_ =	shalt  }
0x5c: {  	_ =	shalt  }
0x5d: {  	_ =	shalt  }
0x5e: {  	_ =	shalt  }
0x5f: {  	_ =	shalt  }
0x60: {  	_ =	shalt  }
0x61: {  	_ =	shalt  }
0x62: {  	_ =	shalt  }
0x63: {  	_ =	shalt  }
0x64: {  	_ =	shalt  }
0x65: {  	_ =	shalt  }
0x66: {  	_ =	shalt  }
0x67: {  	_ =	shalt  }
0x68: {  	_ =	shalt  }
0x69: {  	_ =	shalt  }
0x6a: {  	_ =	shalt  }
0x6b: {  	_ =	shalt  }
0x6c: {  	_ =	shalt  }
0x6d: {  	_ =	shalt  }
0x6e: {  	_ =	shalt  }
0x6f: {  	_ =	shalt  }
0x70: {  	_ =	shalt  }
0x71: {  	_ =	shalt  }
0x72: {  	_ =	shalt  }
0x73: {  	_ =	shalt  }
0x74: {  	_ =	shalt  }
0x75: {  	_ =	shalt  }
0x76: {  	_ =	shalt  }
0x77: {  	_ =	shalt  }
0x78: {  	_ =	shalt  }
0x79: {  	_ =	shalt  }
0x7a: {  	_ =	shalt  }
0x7b: {  	_ =	shalt  }
0x7c: {  	_ =	shalt  }
0x7d: {  	_ =	shalt  }
0x7e: {  	_ =	shalt  }
0x7f: {  	_ =	shalt  }
0x80: {  	_ =	shalt  }
0x81: {  	_ =	shalt  }
0x82: {  	_ =	shalt  }
0x83: {  	_ =	shalt  }
0x84: {  	_ =	shalt  }
0x85: {  	_ =	shalt  }
0x86: {  	_ =	shalt  }
0x87: {  	_ =	shalt  }
.Lfunc_end0:
.L_simem_size_0:
called_computation.1_lowered:
.L_overlay_start_0:
0x88: {  	s2 =	sld [smem:$0x3FD9]  }
0x89: {  	s3 =	sld [smem:$0x3FFE];
	_ =	sdelay $0x1  }
0x8a: {  	s1 =	srdreg.scid  }
0x8b: {  	s0 =	sand.u32 $0x1, s1  }
0x8c: {  	s17 =	sshll.u32 s0, $0xA;
	s2 =	sadd.s32 s3, s2  }
0x8d: {  	s2 =	sadd.s32 s2, s17  }
0x8e: {  	[smem:$0x3FBC] =	sst s2  }
0x8f: {  	_ = 	snop  }
0x90: {  	(tm) =	ssettm $0x1  }
0x91: {  	s18 =	sld [smem:$0x3FFB];
	_ =	sdelay $0x3  }
0x92: {  	_ =	strace s18  }
0x93: {  	s2 =	sld [smem:$0x3FFC];
	_ =	sdelay $0x3  }
0x94: {  	_ =	strace s2  }
0x95: {  	s2 =	sld [smem:$0x3FFD];
	_ =	sdelay $0x3  }
0x96: {  	_ =	strace s2  }
0x97: {  	_ =	strace $0x8FFFFFFF  }
0x98: {  	s19 =	sld [smem:$0x3FDB];
	_ =	sdelay $0x1  }
0x99: {  	s20 =	simm.s32 $_scs_section_size  }
0x9a: {  	s4 =	simm.s32 $_size__tile_overlayer_lowered;
	s5 =	simm.s32 $_tile_overlayer_lowered  }
0x9b: {  	s6 =	simm.s32 $0x1BFF;
	s21 =	sshll.u32 s5, $0x1;
	s3 =	sadd.s32 s20, s19  }
0x9c: {  	s22 =	simm.s32 $0x0;
	s4 =	sshll.u32 s4, $0x1;
	s5 =	sadd.s32 s21, s3  }
0x9d: {  	[timem:s22], [sflag:s6] =	dma.local [hbm:s5], s4  }
0x9e: {  	_ =	swait.ge [sflag:s6], s4  }
0x9f: {  	s4 =	ssub.s32 $0x0, s4;
	[sflag:s6] =	ssyncset.done $0x0  }
0xa0: {  	[sflag:s6] =	ssyncadd.s32 s4;
	_ =	sdelay $0x1  }
0xa1: {  	s23 =	simm.s32 $0x1B8B  }
0xa2: {  	_ =	swait.ge [sflag:s23], $0x1  }
0xa3: {  	[sflag:s23] =	ssyncset.done $0x0  }
0xa4: {  	[sflag:s23] =	ssyncadd.s32 $0xFFFFFFFF  }
0xa5: {  	s4 =	sld [smem:$0x0]  }
0xa6: {  	s5 =	sand.u32 $0xFFFFFFFE, s1  }
0xa7: {  	p0 =	sne.s32 s1, s5  }
0xa8: {  	s5 =	sshll.u32 @p0 s5, $0xE  }
0xa9: {  	s5 =	sadd.s32 @p0 $0x11B8D, s5;
	s6 =	sshll.u32 @p0 s4, $0x11  }
0xaa: {  	s5 =	sor.u32 @p0 s6, s5  }
0xab: {  	[sflag:s5] =	ssyncadd.remote.s32 @p0 $0x1;
	_ =	sdelay $0x1  }
0xac: {  	s5 =	simm.s32 @p0 $0x1B8D  }
0xad: {  	_ =	swait.eq @p0 [sflag:s5], $0x1  }
0xae: {  	[sflag:s5] =	ssyncadd.s32 @p0 $0xFFFFFFFF  }
0xaf: {  	s6 =	sshll.u32 @!p0 s1, $0xE  }
0xb0: {  	s6 =	sor.u32 @!p0 $0x4000, s6;
	s5 =	simm.s32 @!p0 $0x1B8D  }
0xb1: {  	s4 =	sshll.u32 @!p0 s4, $0x11;
	s6 =	sadd.s32 @!p0 $0x11B8D, s6;
	_ =	swait.eq @!p0 [sflag:s5], $0x1  }
0xb2: {  	s4 =	sor.u32 @!p0 s4, s6;
	[sflag:s5] =	ssyncadd.s32 @!p0 $0xFFFFFFFF  }
0xb3: {  	s25 =	simm.s32 $0x1B8E;
	s24 =	sld [smem:$0x3FFE];
	[sflag:s4] =	ssyncadd.remote.s32 @!p0 $0x1  }
0xb4: {  	s26 =	simm.s32 $execute0_lowered;
	[smem:$0x3FD2] =	sst s25  }
0xb5: {  	s5 =	sshll.u32 s26, $0x1;
	_ =	strace $0x80000049;
	[dreg:$0x1] =	wrdreg $0xFFFFFFFF  }
0xb6: {  	s28 =	simm.s32 $_size_execute0_lowered;
	s3 =	sadd.s32 s3, s5;
	[dreg:$0x0] =	wrdreg $0x0  }
0xb7: {  	s5 =	sshll.u32 s28, $0x1;
	[dreg:$0x2] =	wrdreg s3  }
0xb8: {  	[dreg:$0x3] =	wrdreg s5  }
0xb9: {  	[dreg:$0x4] =	wrdreg $0xC0  }
0xba: {  	_ =	task [dreg:s22], $0x5FFFF  }
0xbb: {  	[dreg:$0x1] =	wrdreg $0xFFFFFFFF  }
0xbc: {  	[dreg:$0x0] =	wrdreg $0x60  }
0xbd: {  	[dreg:$0x2] =	wrdreg s24  }
0xbe: {  	[dreg:$0x3] =	wrdreg $0xA  }
0xbf: {  	_ =	task.clear_ibuf [dreg:s22], $0x4FFFF;
	_ =	strace $0x90000049  }
0xc0: {  	s29 =	simm.s32 $0xA;
	_ =	strace $0x8000004B  }
0xc1: {  	_ =	swait.ge [sflag:s29], $0x1  }
0xc2: {  	[sflag:s29] =	ssyncadd.s32 $0xFFFFFFFF  }
0xc3: {  	_ =	strace $0x9000004B  }
0xc4: {  	_ =	sfence  }
0xc5: {  	s30 =	sld [smem:$0x0];
	_ =	sdelay $0x2  }
0xc6: {  	s31 =	sshll.u32 s1, $0xD;
	s1 =	sshrl.u32 s1, $0x2  }
0xc7: {  	s4 =	sand.u32 $0x4000, s31;
	s1 =	sadd.s32 s1, s30  }
0xc8: {  	s0 =	sor.u32 s4, s0;
	s1 =	sshll.u32 s1, $0x11  }
0xc9: {  	s0 =	sor.u32 s1, s0  }
0xca: {  	s0 =	sadd.s32 $0x8F2B, s0  }
0xcb: {  	[sflag:s0] =	ssyncadd.remote.s32 $0x1  }
0xcc: {  	_ =	sfence.sel $0xFFFF  }
0xcd: {  	[dreg:$0x0] =	wrdreg $0xFFFFFFFF;
	(pc) =	sbr.abs _section_cstart, $3  }
0xce: {  	[dreg:$0x1] =	wrdreg $0xFFFFFFFF  }
0xcf: {  	_ =	task.clear_ibuf [dreg:s22], $0x2FFFF;
	_ =	strace $0x9FFFFFFF  }
0xd0: {  	(tm) =	ssettm $0x7FFFFFFF  }
0xd1: {  	_ =	shalt  }
tec
execute0_lowered:
.L_overlay_start_1:
0x0: {  	(tag) =	ssettag $0x1  }
0x1: {  	s1 =	srdreg.scid  }
0x2: {  	s0 =	stileid.u32;
	s19 =	sand.u32 $0x1, s1  }
0x3: {  	s11 =	rddreg [dreg:$0x0];
	s3 =	sshll.u32 s0, $0xB;
	s4 =	sshll.u32 s19, $0xA  }
0x4: {  	s2 =	simm.s32 $0x0;
	s1 =	rddreg [dreg:$0x1];
	s15 =	sor.u32 s4, s3  }
0x5: {  	[smem:$0x7FF] =	sst s2;
	s16 =	sadd.s32 $0xB1C00, s11;
	s3 =	sshrl.u32 s15, $0x3  }
0x6: {  	_ =	strace $0x8000004A;
	s4 =	simm.s32 $0x5;
	s3 =	sadd.s32 s16, s3  }
0x7: {  	[tilespmem:s2], [sflag:$0x5] =	stream.linear.gather [hbm4b:s3+s2], $0x100, $0x38;
	[tilespmem:$0x10200] =	vst v63  }
0x8: {  	s6 =	simm.s32 $0x100;
	_ =	swait.ge [sflag:s4], $0x100  }
0x9: {  	s7 =	simm.s32 $0x200;
	s17 =	sor.u32 $0x100, s15;
	[sflag:s4] =	ssyncset.done $0x0  }
0xa: {  	s5 =	sadd.s32 $0x2A00, s11;
	s8 =	sshrl.u32 s17, $0x3;
	[sflag:s4] =	ssyncadd.s32 $0xFFFFFF00  }
0xb: {  	[tilespmem:s7], [sflag:$0x1] =	stream.indirect.gather [hbm4b:s5+s6], $0x80, s2, s6, $0xb8;
	[tilespmem:$0x10200] =	vst v63  }
0xc: {  	s8 =	sadd.s32 s16, s8  }
0xd: {  	[tilespmem:s6], [sflag:$0x5] =	stream.linear.gather [hbm4b:s8+s2], $0x100, $0x38;
	[tilespmem:$0x10200] =	vst v63  }
0xe: {  	_ =	swait.ge [sflag:s4], $0x100  }
0xf: {  	[sflag:s4] =	ssyncset.done $0x0  }
0x10: {  	s9 =	simm.s32 $0x8200;
	s10 =	simm.s32 $0x1;
	[sflag:s4] =	ssyncadd.s32 $0xFFFFFF00  }
0x11: {  	[tilespmem:s9], [sflag:$0x2] =	stream.indirect.gather [hbm4b:s5+s6], $0x80, s6, s6, $0xb8;
	[tilespmem:$0x10200] =	vst v63  }
0x12: {  	s20 =	sadd.s32 $0xB2C00, s11;
	_ =	swait.ge [sflag:s10], $0x8000  }
0x13: {  	s29 =	sshll.u32 s15, $0x4;
	s18 =	sor.u32 $0x200, s15;
	[sflag:s10] =	ssyncset.done $0x0  }
0x14: {  	s11 =	sadd.s32 s20, s29;
	s12 =	sshrl.u32 s18, $0x3;
	[sflag:s10] =	ssyncadd.s32 $0xFFFF8000  }
0x15: {  	[hbm4b:s11+s2] =	stream.linear.scatter [tilespmem:s7], [sflag:$0x3], $0x8000, $0x38;
	[tilespmem:$0x10200] =	vst v63  }
0x16: {  	s12 =	sadd.s32 s16, s12  }
0x17: {  	[tilespmem:s2], [sflag:$0x5] =	stream.linear.gather [hbm4b:s12+s2], $0x100, $0x38;
	[tilespmem:$0x10200] =	vst v63  }
0x18: {  	_ =	swait.ge [sflag:s4], $0x100  }
0x19: {  	[sflag:s4] =	ssyncset.done $0x0  }
0x1a: {  	s13 =	simm.s32 $0x3;
	[sflag:s4] =	ssyncadd.s32 $0xFFFFFF00  }
0x1b: {  	_ =	swait.ge [sflag:s13], $0x8000  }
0x1c: {  	[sflag:s13] =	ssyncset.done $0x0  }
0x1d: {  	s14 =	simm.s32 $0x2;
	[sflag:s13] =	ssyncadd.s32 $0xFFFF8000  }
0x1e: {  	[tilespmem:s7], [sflag:$0x1] =	stream.indirect.gather [hbm4b:s5+s6], $0x80, s2, s6, $0xb8;
	[tilespmem:$0x10200] =	vst v63  }
0x1f: {  	_ =	swait.ge [sflag:s14], $0x8000  }
0x20: {  	s21 =	sor.u32 $0x300, s15;
	s17 =	sshll.u32 s17, $0x4;
	[sflag:s14] =	ssyncset.done $0x0  }
0x21: {  	s30 =	sshrl.u32 s21, $0x3;
	s15 =	sadd.s32 s20, s17;
	[sflag:s14] =	ssyncadd.s32 $0xFFFF8000  }
0x22: {  	[hbm4b:s15+s2] =	stream.linear.scatter [tilespmem:s9], [sflag:$0x4], $0x8000, $0x38;
	[tilespmem:$0x10200] =	vst v63  }
0x23: {  	s16 =	sadd.s32 s16, s30  }
0x24: {  	[tilespmem:s6], [sflag:$0x5] =	stream.linear.gather [hbm4b:s16+s2], $0x100, $0x38;
	[tilespmem:$0x10200] =	vst v63  }
0x25: {  	_ =	swait.ge [sflag:s4], $0x100  }
0x26: {  	[sflag:s4] =	ssyncset.done $0x0  }
0x27: {  	s17 =	simm.s32 $0x4;
	[sflag:s4] =	ssyncadd.s32 $0xFFFFFF00  }
0x28: {  	_ =	swait.ge [sflag:s17], $0x8000  }
0x29: {  	[sflag:s17] =	ssyncset.done $0x0  }
0x2a: {  	[sflag:s17] =	ssyncadd.s32 $0xFFFF8000  }
0x2b: {  	[tilespmem:s9], [sflag:$0x2] =	stream.indirect.gather [hbm4b:s5+s6], $0x80, s6, s6, $0xb8;
	[tilespmem:$0x10200] =	vst v63  }
0x2c: {  	s22 =	ssub.s32 $0x2, s19;
	_ =	swait.ge [sflag:s10], $0x8000  }
0x2d: {  	s31 =	sshrl.u32 s22, $0x1;
	s18 =	sshll.u32 s18, $0x4;
	[sflag:s10] =	ssyncset.done $0x0  }
0x2e: {  	s21 =	sshll.u32 s21, $0x4;
	s18 =	sadd.s32 s20, s18;
	[sflag:s10] =	ssyncadd.s32 $0xFFFF8000  }
0x2f: {  	[hbm4b:s18+s2] =	stream.linear.scatter [tilespmem:s7], [sflag:$0x3], $0x8000, $0x38;
	[tilespmem:$0x10200] =	vst v63  }
0x30: {  	s19 =	sadd.s32 s20, s21;
	s20 =	ssub.s32 s22, s31;
	_ =	swait.ge [sflag:s14], $0x8000  }
0x31: {  	s20 =	smax.u32 s20, $0x1;
	[sflag:s14] =	ssyncset.done $0x0  }
0x32: {  	p0 =	sne.s32 s20, $0x1;
	[sflag:s14] =	ssyncadd.s32 $0xFFFF8000  }
0x33: {  	[hbm4b:s19+s2] =	stream.linear.scatter [tilespmem:s9], [sflag:$0x4], $0x8000, $0x38;
	[tilespmem:$0x10200] =	vst v63  }
.Ltmp0:
0x34: {  	_ =	swait.ge [sflag:s13], $0x8000;
	(pc) =	sbr.rel @!p0 .LBB2_2-.Ltmp0, $4  }
0x35: {  	[sflag:s13] =	ssyncset.done $0x0  }
0x36: {  	[sflag:s13] =	ssyncadd.s32 $0xFFFF8000  }
0x37: {  	_ =	swait.ge [sflag:s17], $0x8000  }
0x38: {  	s20 =	sadd.s32 $0xFFFFFFFF, s20;
	[sflag:s17] =	ssyncset.done $0x0  }
.LBB2_1:
0x39: {  	p0 =	sne.s32 s20, $0x1;
	s20 =	sadd.s32 $0xFFFFFFFF, s20;
	[sflag:s17] =	ssyncadd.s32 $0xFFFF8000  }
0x3a: {  	[tilespmem:s2], [sflag:$0x5] =	stream.linear.gather [hbm4b:s3+s2], $0x100, $0x38;
	[tilespmem:$0x10200] =	vst v63  }
0x3b: {  	_ =	swait.ge [sflag:s4], $0x100  }
0x3c: {  	[sflag:s4] =	ssyncset.done $0x0  }
0x3d: {  	[sflag:s4] =	ssyncadd.s32 $0xFFFFFF00  }
0x3e: {  	[tilespmem:s7], [sflag:$0x1] =	stream.indirect.gather [hbm4b:s5+s6], $0x80, s2, s6, $0xb8;
	[tilespmem:$0x10200] =	vst v63  }
0x3f: {  	_ = 	snop  }
0x40: {  	[tilespmem:s6], [sflag:$0x5] =	stream.linear.gather [hbm4b:s8+s2], $0x100, $0x38;
	[tilespmem:$0x10200] =	vst v63  }
0x41: {  	_ =	swait.ge [sflag:s4], $0x100  }
0x42: {  	[sflag:s4] =	ssyncset.done $0x0  }
0x43: {  	[sflag:s4] =	ssyncadd.s32 $0xFFFFFF00  }
0x44: {  	[tilespmem:s9], [sflag:$0x2] =	stream.indirect.gather [hbm4b:s5+s6], $0x80, s6, s6, $0xb8;
	[tilespmem:$0x10200] =	vst v63  }
0x45: {  	_ =	swait.ge [sflag:s10], $0x8000  }
0x46: {  	[sflag:s10] =	ssyncset.done $0x0  }
0x47: {  	[sflag:s10] =	ssyncadd.s32 $0xFFFF8000  }
0x48: {  	[hbm4b:s11+s2] =	stream.linear.scatter [tilespmem:s7], [sflag:$0x3], $0x8000, $0x38;
	[tilespmem:$0x10200] =	vst v63  }
0x49: {  	_ = 	snop  }
0x4a: {  	[tilespmem:s2], [sflag:$0x5] =	stream.linear.gather [hbm4b:s12+s2], $0x100, $0x38;
	[tilespmem:$0x10200] =	vst v63  }
0x4b: {  	_ =	swait.ge [sflag:s4], $0x100  }
0x4c: {  	[sflag:s4] =	ssyncset.done $0x0  }
0x4d: {  	[sflag:s4] =	ssyncadd.s32 $0xFFFFFF00  }
0x4e: {  	_ =	swait.ge [sflag:s13], $0x8000  }
0x4f: {  	[sflag:s13] =	ssyncset.done $0x0  }
0x50: {  	[sflag:s13] =	ssyncadd.s32 $0xFFFF8000  }
0x51: {  	[tilespmem:s7], [sflag:$0x1] =	stream.indirect.gather [hbm4b:s5+s6], $0x80, s2, s6, $0xb8;
	[tilespmem:$0x10200] =	vst v63  }
0x52: {  	_ =	swait.ge [sflag:s14], $0x8000  }
0x53: {  	[sflag:s14] =	ssyncset.done $0x0  }
0x54: {  	[sflag:s14] =	ssyncadd.s32 $0xFFFF8000  }
0x55: {  	[hbm4b:s15+s2] =	stream.linear.scatter [tilespmem:s9], [sflag:$0x4], $0x8000, $0x38;
	[tilespmem:$0x10200] =	vst v63  }
0x56: {  	_ = 	snop  }
0x57: {  	[tilespmem:s6], [sflag:$0x5] =	stream.linear.gather [hbm4b:s16+s2], $0x100, $0x38;
	[tilespmem:$0x10200] =	vst v63  }
0x58: {  	_ =	swait.ge [sflag:s4], $0x100  }
0x59: {  	[sflag:s4] =	ssyncset.done $0x0  }
0x5a: {  	[sflag:s4] =	ssyncadd.s32 $0xFFFFFF00  }
0x5b: {  	_ =	swait.ge [sflag:s17], $0x8000  }
0x5c: {  	[sflag:s17] =	ssyncset.done $0x0  }
0x5d: {  	[sflag:s17] =	ssyncadd.s32 $0xFFFF8000  }
0x5e: {  	[tilespmem:s9], [sflag:$0x2] =	stream.indirect.gather [hbm4b:s5+s6], $0x80, s6, s6, $0xb8;
	[tilespmem:$0x10200] =	vst v63  }
0x5f: {  	_ =	swait.ge [sflag:s10], $0x8000  }
0x60: {  	[sflag:s10] =	ssyncset.done $0x0  }
0x61: {  	[sflag:s10] =	ssyncadd.s32 $0xFFFF8000  }
0x62: {  	[hbm4b:s18+s2] =	stream.linear.scatter [tilespmem:s7], [sflag:$0x3], $0x8000, $0x38;
	[tilespmem:$0x10200] =	vst v63  }
0x63: {  	_ =	swait.ge [sflag:s14], $0x8000  }
0x64: {  	[sflag:s14] =	ssyncset.done $0x0  }
0x65: {  	[sflag:s14] =	ssyncadd.s32 $0xFFFF8000  }
0x66: {  	[hbm4b:s19+s2] =	stream.linear.scatter [tilespmem:s9], [sflag:$0x4], $0x8000, $0x38;
	[tilespmem:$0x10200] =	vst v63  }
.Ltmp1:
0x67: {  	_ =	swait.ge [sflag:s13], $0x8000;
	(pc) =	sbr.rel @p0 .LBB2_1-.Ltmp1, $4  }
0x68: {  	[sflag:s13] =	ssyncset.done $0x0  }
0x69: {  	[sflag:s13] =	ssyncadd.s32 $0xFFFF8000  }
0x6a: {  	_ =	swait.ge [sflag:s17], $0x8000  }
0x6b: {  	[sflag:s17] =	ssyncset.done $0x0  }
.LBB2_2:
0x6c: {  	[sflag:s17] =	ssyncadd.s32 $0xFFFF8000  }
0x6d: {  	_ =	sfence.sel $0x180000  }
0x6e: {  	[bflag:$0x0] =	sbarrier.arrive $0xFFFF  }
0x6f: {  	p0 =	sne.s32 s0, $0x0;
	_ =	strace $0x9000004A  }
0x70: {  	s0 =	sadd.s32 @!p0 $0x100000, s1;
	[bflag:$0x2] =	sbarrier.arrive $0xFFFF  }
0x71: {  	[sflag:s0] =	ssyncadd.tile.s32 @!p0 $0x1;
	_ =	shalt  }
.Lfunc_end2:
_tile_overlayer_lowered:
.L_overlay_start_2:
0x72: {  	(tag) =	ssettag $0x2  }
0x73: {  	s0 =	rddreg [dreg:$0x0];
	s2 =	stileid.u32  }
0x74: {  	s1 =	rddreg [dreg:$0x1];
	p0 =	sne.s32 s2, $0x0  }
0x75: {  	s3 =	rddreg [dreg:$0x2];
	[bflag:$0x3] =	sbarrier.arrive $0xFFFF;
	s2 =	simm.s32 @!p0 $0x1C05  }
0x76: {  	[timem:s3], [sflag:s2] =	dma.local @!p0 [hbm:s0], s1  }
0x77: {  	s0 =	simm.s32 @!p0 $0x5  }
0x78: {  	_ =	swait.ge @!p0 [sflag:s0], s1  }
0x79: {  	s1 =	ssub.s32 @!p0 $0x0, s1;
	[sflag:s0] =	ssyncset.done @!p0 $0x0  }
0x7a: {  	[sflag:s0] =	ssyncadd.s32 @!p0 s1  }
0x7b: {  	[bflag:$0x3] =	sbarrier.arrive $0xFFFF  }
0x7c: {  	_ =	shalt  }

// kernel: kernel.8.cloned.1.call-start
scs
__scs_entry_jumppad:
0x0: {  	(pc) =	sbr.rel $0x88, $3  }
0x1: {  	(tag) =	ssettag $0x0;
	lr =	simm.s32 $0x1  }
0x2: {  	[smem:$0x3F95] =	sst lr;
	_ =	strace $0xD0000000  }
0x3: {  	_ = 	snop  }
0x4: {  	_ = 	snop  }
0x5: {  	_ = 	snop  }
0x6: {  	_ = 	snop  }
0x7: {  	_ = 	snop  }
__scs_overlays_trampoline_lowered:
0x8: {  	[smem:$0x3FA4] =	sst s0  }
0x9: {  	[smem:$0x3FA5] =	sst s1  }
0xa: {  	[smem:$0x3FA6] =	sst s2  }
0xb: {  	[smem:$0x3FA7] =	sst s3  }
0xc: {  	[smem:$0x3FA8] =	sst s4  }
0xd: {  	[smem:$0x3FA9] =	sst s5  }
0xe: {  	[smem:$0x3FAA] =	sst s6  }
0xf: {  	[smem:$0x3FAB] =	sst s7  }
0x10: {  	[smem:$0x3FAC] =	sst s8  }
0x11: {  	[smem:$0x3FAD] =	sst s9;
	s0 =	simm.s32 @!p0 $0x0  }
0x12: {  	s1 =	sld [smem:$0x3F93];
	s0 =	simm.s32 @p0 $0x1  }
0x13: {  	[smem:$0x3FAE] =	sst s0;
	s0 =	simm.s32 @!p1 $0x0  }
0x14: {  	s2 =	sld [smem:$0x3F92];
	s0 =	simm.s32 @p1 $0x1  }
0x15: {  	[smem:$0x3FAF] =	sst s0;
	s0 =	simm.s32 @!p2 $0x0  }
0x16: {  	s3 =	sld [smem:$0x3FDB];
	s0 =	simm.s32 @p2 $0x1  }
0x17: {  	s4 =	simm.s32 $0x1BF5;
	[smem:$0x3FB1] =	sst s0  }
0x18: {  	s0 =	sld [smem:$0x3F94];
	_ =	swait.ge [sflag:s4], $0x0  }
0x19: {  	s7 =	sld [smem:$0x3F95]  }
0x1a: {  	s8 =	sadd.s32 $0xFFFFE003, lr  }
0x1b: {  	s9 =	sadd.s32 $0xFFFFFEF7, lr;
	s5 =	simm.s32 $0xFFFFFFFF;
	p2 =	slt.u32 s8, $0xFFFFF086  }
0x1c: {  	p1 =	slt.u32 s9, $0xF7A;
	s5 =	simm.s32 @!p2 $0x0  }
0x1d: {  	s5 =	simm.s32 @p1 $0x1;
	p0 =	seq.s32 s7, s2  }
0x1e: {  	s7 =	smul.u32 @!p0 $0xF7A, s2;
	p2 =	seq.s32 @!p0 s5, $0x0  }
0x1f: {  	s9 =	smul.u32 $0xF7A, s1;
	s8 =	simm.s32 @!p0 $0x1BF5;
	p2 =	por !p2, p0  }
0x20: {  	[sflag:s8] =	ssyncset.s32 @!p0 $0xFFFFF086;
	s6 =	sadd.s32 @!p0 s3, s7;
	s7 =	simm.s32 @!p0 $0x108  }
0x21: {  	s3 =	sadd.s32 s3, s9;
	s6 =	sadd.s32 @!p0 $0x88, s6;
	s7 =	simm.s32 @p2 $0x1082  }
0x22: {  	[simem:s7], [sflag:s8] =	dma.local @!p0 [hbm:s6], $0xF7A  }
0x23: {  	s9 =	sor.u32 $0xD0000000, s2;
	s6 =	simm.s32 $0x108;
	_ =	swait.ge @!p0 [sflag:s8], $0x0  }
0x24: {  	s3 =	sadd.s32 $0x88, s3;
	s6 =	simm.s32 @!p1 $0x1082;
	[sflag:s4] =	ssyncset.s32 $0xFFFFF086  }
0x25: {  	[simem:s6], [sflag:s4] =	dma.local [hbm:s3], $0xF7A  }
0x26: {  	[smem:$0x3F95] =	sst s1;
	(tag) =	ssettag s2;
	_ =	strace s9  }
0x27: {  	s1 =	sld [smem:$0x3FA5]  }
0x28: {  	s2 =	sld [smem:$0x3FA6]  }
0x29: {  	s4 =	sld [smem:$0x3FA8]  }
0x2a: {  	p0 =	seq.s32 s5, $0x0;
	s5 =	sld [smem:$0x3FA9]  }
0x2b: {  	s6 =	sld [smem:$0x3FAA]  }
0x2c: {  	s7 =	sld [smem:$0x3FAB]  }
0x2d: {  	s3 =	simm.s32 $0x108;
	s8 =	sld [smem:$0x3FAC]  }
0x2e: {  	s3 =	simm.s32 @!p0 $0x1082;
	s9 =	sld [smem:$0x3FAD]  }
0x2f: {  	lr =	sadd.s32 s0, s3;
	s0 =	sld [smem:$0x3FA4]  }
0x30: {  	s3 =	sld [smem:$0x3FA7]  }
0x31: {  	[smem:$0x3FB0] =	sst s10  }
0x32: {  	s10 =	sld [smem:$0x3FAE];
	_ =	sdelay $0x3  }
0x33: {  	p0 =	seq.s32 s10, $0x1;
	s10 =	sld [smem:$0x3FB0];
	_ =	sdelay $0x3  }
0x34: {  	[smem:$0x3FB0] =	sst s10  }
0x35: {  	s10 =	sld [smem:$0x3FAF];
	_ =	sdelay $0x3  }
0x36: {  	p1 =	seq.s32 s10, $0x1;
	s10 =	sld [smem:$0x3FB0];
	_ =	sdelay $0x3  }
0x37: {  	[smem:$0x3FB0] =	sst s10  }
0x38: {  	s10 =	sld [smem:$0x3FB1]  }
0x39: {  	_ = 	snop;
	(pc) =	sbr.ind lr, $3  }
0x3a: {  	_ = 	snop  }
0x3b: {  	_ = 	snop  }
0x3c: {  	p2 =	seq.s32 s10, $0x1;
	s10 =	sld [smem:$0x3FB0]  }
0x3d: {  	_ =	shalt  }
0x3e: {  	_ =	shalt  }
0x3f: {  	_ =	shalt  }
0x40: {  	_ =	shalt  }
0x41: {  	_ =	shalt  }
0x42: {  	_ =	shalt  }
0x43: {  	_ =	shalt  }
0x44: {  	_ =	shalt  }
0x45: {  	_ =	shalt  }
0x46: {  	_ =	shalt  }
0x47: {  	_ =	shalt  }
0x48: {  	_ =	shalt  }
0x49: {  	_ =	shalt  }
0x4a: {  	_ =	shalt  }
0x4b: {  	_ =	shalt  }
0x4c: {  	_ =	shalt  }
0x4d: {  	_ =	shalt  }
0x4e: {  	_ =	shalt  }
0x4f: {  	_ =	shalt  }
0x50: {  	_ =	shalt  }
0x51: {  	_ =	shalt  }
0x52: {  	_ =	shalt  }
0x53: {  	_ =	shalt  }
0x54: {  	_ =	shalt  }
0x55: {  	_ =	shalt  }
0x56: {  	_ =	shalt  }
0x57: {  	_ =	shalt  }
0x58: {  	_ =	shalt  }
0x59: {  	_ =	shalt  }
0x5a: {  	_ =	shalt  }
0x5b: {  	_ =	shalt  }
0x5c: {  	_ =	shalt  }
0x5d: {  	_ =	shalt  }
0x5e: {  	_ =	shalt  }
0x5f: {  	_ =	shalt  }
0x60: {  	_ =	shalt  }
0x61: {  	_ =	shalt  }
0x62: {  	_ =	shalt  }
0x63: {  	_ =	shalt  }
0x64: {  	_ =	shalt  }
0x65: {  	_ =	shalt  }
0x66: {  	_ =	shalt  }
0x67: {  	_ =	shalt  }
0x68: {  	_ =	shalt  }
0x69: {  	_ =	shalt  }
0x6a: {  	_ =	shalt  }
0x6b: {  	_ =	shalt  }
0x6c: {  	_ =	shalt  }
0x6d: {  	_ =	shalt  }
0x6e: {  	_ =	shalt  }
0x6f: {  	_ =	shalt  }
0x70: {  	_ =	shalt  }
0x71: {  	_ =	shalt  }
0x72: {  	_ =	shalt  }
0x73: {  	_ =	shalt  }
0x74: {  	_ =	shalt  }
0x75: {  	_ =	shalt  }
0x76: {  	_ =	shalt  }
0x77: {  	_ =	shalt  }
0x78: {  	_ =	shalt  }
0x79: {  	_ =	shalt  }
0x7a: {  	_ =	shalt  }
0x7b: {  	_ =	shalt  }
0x7c: {  	_ =	shalt  }
0x7d: {  	_ =	shalt  }
0x7e: {  	_ =	shalt  }
0x7f: {  	_ =	shalt  }
0x80: {  	_ =	shalt  }
0x81: {  	_ =	shalt  }
0x82: {  	_ =	shalt  }
0x83: {  	_ =	shalt  }
0x84: {  	_ =	shalt  }
0x85: {  	_ =	shalt  }
0x86: {  	_ =	shalt  }
0x87: {  	_ =	shalt  }
.Lfunc_end0:
.L_simem_size_0:
called_computation_lowered:
.L_overlay_start_0:
0x88: {  	s2 =	sld [smem:$0x3FD9]  }
0x89: {  	s3 =	sld [smem:$0x3FFE];
	_ =	sdelay $0x1  }
0x8a: {  	s1 =	srdreg.scid  }
0x8b: {  	s0 =	sand.u32 $0x1, s1  }
0x8c: {  	s14 =	sshll.u32 s0, $0xA;
	s2 =	sadd.s32 s3, s2  }
0x8d: {  	s2 =	sadd.s32 s2, s14  }
0x8e: {  	[smem:$0x3FBC] =	sst s2  }
0x8f: {  	_ = 	snop  }
0x90: {  	s2 =	sld [smem:$0x3FD0];
	_ =	sdelay $0x2  }
0x91: {  	s4 =	simm.s32 $0xB;
	s5 =	simm.s32 $0x10;
	s15 =	sld [smem:$0x3FC8]  }
0x92: {  	[smem:s5], [sflag:s4] =	dma.local [hbm:s2], $0x1  }
0x93: {  	_ =	swait.eq [sflag:s4], $0x1  }
0x94: {  	[sflag:s4] =	ssyncset.done $0x0  }
0x95: {  	[sflag:s4] =	ssyncadd.s32 $0xFFFFFFFF  }
0x96: {  	s16 =	sld [smem:$0x10];
	(tm) =	ssettm $0x1  }
0x97: {  	s17 =	sld [smem:$0x3FFB];
	_ =	sdelay $0x3  }
0x98: {  	_ =	strace s17  }
0x99: {  	s4 =	sld [smem:$0x3FFC];
	_ =	sdelay $0x3  }
0x9a: {  	_ =	strace s4  }
0x9b: {  	s4 =	sld [smem:$0x3FFD];
	_ =	sdelay $0x3  }
0x9c: {  	_ =	strace s4  }
0x9d: {  	_ =	strace $0x8FFFFFFF  }
0x9e: {  	s18 =	sld [smem:$0x3FDB];
	_ =	sdelay $0x1  }
0x9f: {  	s19 =	simm.s32 $_scs_section_size  }
0xa0: {  	s6 =	simm.s32 $_size__tile_overlayer_lowered;
	s7 =	simm.s32 $_tile_overlayer_lowered  }
0xa1: {  	s22 =	simm.s32 $0x1BFF;
	s21 =	sshll.u32 s7, $0x1;
	s4 =	sadd.s32 s19, s18  }
0xa2: {  	s8 =	simm.s32 $0x0;
	s20 =	sshll.u32 s6, $0x1;
	s6 =	sadd.s32 s21, s4  }
0xa3: {  	[timem:s8], [sflag:s22] =	dma.local [hbm:s6], s20  }
0xa4: {  	_ =	swait.ge [sflag:s22], s20  }
0xa5: {  	s5 =	ssub.s32 $0x0, s20;
	[sflag:s22] =	ssyncset.done $0x0  }
0xa6: {  	[sflag:s22] =	ssyncadd.s32 s5;
	_ =	sdelay $0x1  }
0xa7: {  	s23 =	simm.s32 $0x1B8B  }
0xa8: {  	_ =	swait.ge [sflag:s23], $0x1  }
0xa9: {  	[sflag:s23] =	ssyncset.done $0x0  }
0xaa: {  	s25 =	simm.s32 $0x1B8E;
	s24 =	sld [smem:$0x3FFE];
	[sflag:s23] =	ssyncadd.s32 $0xFFFFFFFF  }
0xab: {  	s26 =	simm.s32 $execute0_lowered;
	[smem:$0x3FD2] =	sst s25  }
0xac: {  	s6 =	sshll.u32 s26, $0x1;
	_ =	strace $0x80000046;
	[dreg:$0x1] =	wrdreg $0xFFFFFFFF  }
0xad: {  	s28 =	simm.s32 $_size_execute0_lowered;
	s4 =	sadd.s32 s4, s6;
	[dreg:$0x0] =	wrdreg $0x0  }
0xae: {  	s6 =	sshll.u32 s28, $0x1;
	[dreg:$0x2] =	wrdreg s4  }
0xaf: {  	[dreg:$0x3] =	wrdreg s6  }
0xb0: {  	[dreg:$0x4] =	wrdreg $0xC0  }
0xb1: {  	_ =	task [dreg:s8], $0x5FFFF  }
0xb2: {  	[dreg:$0x1] =	wrdreg $0xFFFFFFFF  }
0xb3: {  	[dreg:$0x0] =	wrdreg $0x60  }
0xb4: {  	[dreg:$0x2] =	wrdreg s24  }
0xb5: {  	[dreg:$0x3] =	wrdreg s15  }
0xb6: {  	[dreg:$0x4] =	wrdreg s16  }
0xb7: {  	[dreg:$0x5] =	wrdreg $0x9  }
0xb8: {  	_ =	task.clear_ibuf [dreg:s8], $0x6FFFF;
	_ =	strace $0x90000046  }
0xb9: {  	s29 =	simm.s32 $0x9;
	_ =	strace $0x80000048  }
0xba: {  	_ =	swait.ge [sflag:s29], $0x1  }
0xbb: {  	[sflag:s29] =	ssyncadd.s32 $0xFFFFFFFF  }
0xbc: {  	_ =	strace $0x90000048  }
0xbd: {  	_ =	sfence  }
0xbe: {  	s30 =	sld [smem:$0x0];
	_ =	sdelay $0x2  }
0xbf: {  	s31 =	sshll.u32 s1, $0xD;
	s1 =	sshrl.u32 s1, $0x2  }
0xc0: {  	s3 =	sand.u32 $0x4000, s31;
	s1 =	sadd.s32 s1, s30  }
0xc1: {  	s0 =	sor.u32 s3, s0;
	s1 =	sshll.u32 s1, $0x11  }
0xc2: {  	s0 =	sor.u32 s1, s0  }
0xc3: {  	s0 =	sadd.s32 $0x8F2B, s0  }
0xc4: {  	[sflag:s0] =	ssyncadd.remote.s32 $0x1  }
0xc5: {  	_ =	sfence.sel $0xFFFF  }
0xc6: {  	[dreg:$0x0] =	wrdreg $0xFFFFFFFF;
	(pc) =	sbr.abs _section_cstart, $3  }
0xc7: {  	[dreg:$0x1] =	wrdreg $0xFFFFFFFF  }
0xc8: {  	_ =	task.clear_ibuf [dreg:s8], $0x2FFFF;
	_ =	strace $0x9FFFFFFF  }
0xc9: {  	(tm) =	ssettm $0x7FFFFFFF  }
tec
execute0_lowered:
.L_overlay_start_1:
0x0: {  	(tag) =	ssettag $0x1  }
0x1: {  	s26 =	rddreg [dreg:$0x0]  }
0x2: {  	s1 =	srdreg.scid;
	s0 =	stileid.u32  }
0x3: {  	s2 =	rddreg [dreg:$0x1];
	s25 =	sand.u32 $0x1, s1;
	s4 =	sshll.u32 s0, $0x1  }
0x4: {  	s21 =	rddreg [dreg:$0x2];
	s16 =	sor.u32 s25, s4  }
0x5: {  	s3 =	simm.s32 $0x0;
	s6 =	simm.s32 $0x200;
	s4 =	sshll.u32 s16, $0x3  }
0x6: {  	s5 =	simm.s32 $0x6;
	[smem:$0x7FF] =	sst s3;
	s4 =	sadd.s32 s4, s26  }
0x7: {  	s1 =	rddreg [dreg:$0x3];
	_ =	strace $0x80000047;
	s4 =	sadd.s32 $0x2800, s4  }
0x8: {  	[tilespmem:s6], [sflag:$0x6] =	stream.linear.gather [hbm4b:s4+s3], $0x40, $0x38;
	[tilespmem:$0x12240] =	vst v63  }
0x9: {  	_ =	swait.ge [sflag:s5], $0x40  }
0xa: {  	s7 =	simm.s32 $0x40;
	[sflag:s5] =	ssyncset.done $0x0  }
0xb: {  	s8 =	simm.s32 $0x10240;
	s9 =	sshll.u32 s16, $0x7;
	[sflag:s5] =	ssyncadd.s32 $0xFFFFFFC0  }
0xc: {  	[tilespmem:s8], [sflag:$0x5] =	stream.indirect.gather [hbm4b:s2+s7], $0x80, s6, s7, $0xb8;
	[tilespmem:$0x12240] =	vst v63  }
0xd: {  	s9 =	sadd.s32 s21, s9  }
0xe: {  	[tilespmem:s3], [sflag:$0x6] =	stream.linear.gather [hbm4b:s9+s3], $0x100, $0x38;
	[tilespmem:$0x12240] =	vst v63  }
0xf: {  	s11 =	simm.s32 $0x100;
	s28 =	sshll.u32 s16, $0xA;
	_ =	swait.ge [sflag:s5], $0x100  }
0x10: {  	s12 =	simm.s32 $0x240;
	s20 =	sor.u32 $0x100, s28;
	[sflag:s5] =	ssyncset.done $0x0  }
0x11: {  	s10 =	sadd.s32 $0x2A00, s26;
	s13 =	sshrl.u32 s20, $0x3;
	[sflag:s5] =	ssyncadd.s32 $0xFFFFFF00  }
0x12: {  	[tilespmem:s12], [sflag:$0x1] =	stream.indirect.gather [hbm4b:s10+s11], $0x80, s3, s11, $0xb8;
	[tilespmem:$0x12240] =	vst v63  }
0x13: {  	s13 =	sadd.s32 s21, s13  }
0x14: {  	[tilespmem:s11], [sflag:$0x6] =	stream.linear.gather [hbm4b:s13+s3], $0x100, $0x38;
	[tilespmem:$0x12240] =	vst v63  }
0x15: {  	_ =	swait.ge [sflag:s5], $0x100  }
0x16: {  	[sflag:s5] =	ssyncset.done $0x0  }
0x17: {  	s14 =	simm.s32 $0x8240;
	s15 =	simm.s32 $0x1;
	[sflag:s5] =	ssyncadd.s32 $0xFFFFFF00  }
0x18: {  	[tilespmem:s14], [sflag:$0x2] =	stream.indirect.gather [hbm4b:s10+s11], $0x80, s11, s11, $0xb8;
	[tilespmem:$0x12240] =	vst v63  }
0x19: {  	s24 =	sadd.s32 $0x31C00, s26;
	_ =	swait.ge [sflag:s15], $0x8000  }
0x1a: {  	s16 =	sshll.u32 s16, $0xE;
	s23 =	sor.u32 $0x200, s28;
	[sflag:s15] =	ssyncset.done $0x0  }
0x1b: {  	s16 =	sadd.s32 s24, s16;
	s17 =	sshrl.u32 s23, $0x3;
	[sflag:s15] =	ssyncadd.s32 $0xFFFF8000  }
0x1c: {  	[hbm4b:s16+s3] =	stream.linear.scatter [tilespmem:s12], [sflag:$0x3], $0x8000, $0x38;
	[tilespmem:$0x12240] =	vst v63  }
0x1d: {  	s17 =	sadd.s32 s21, s17  }
0x1e: {  	[tilespmem:s3], [sflag:$0x6] =	stream.linear.gather [hbm4b:s17+s3], $0x100, $0x38;
	[tilespmem:$0x12240] =	vst v63  }
0x1f: {  	_ =	swait.ge [sflag:s5], $0x100  }
0x20: {  	[sflag:s5] =	ssyncset.done $0x0  }
0x21: {  	s18 =	simm.s32 $0x3;
	[sflag:s5] =	ssyncadd.s32 $0xFFFFFF00  }
0x22: {  	_ =	swait.ge [sflag:s18], $0x8000  }
0x23: {  	[sflag:s18] =	ssyncset.done $0x0  }
0x24: {  	s19 =	simm.s32 $0x2;
	[sflag:s18] =	ssyncadd.s32 $0xFFFF8000  }
0x25: {  	[tilespmem:s12], [sflag:$0x1] =	stream.indirect.gather [hbm4b:s10+s11], $0x80, s3, s11, $0xb8;
	[tilespmem:$0x12240] =	vst v63  }
0x26: {  	_ =	swait.ge [sflag:s19], $0x8000  }
0x27: {  	s29 =	sor.u32 $0x300, s28;
	s20 =	sshll.u32 s20, $0x4;
	[sflag:s19] =	ssyncset.done $0x0  }
0x28: {  	s22 =	sshrl.u32 s29, $0x3;
	s20 =	sadd.s32 s24, s20;
	[sflag:s19] =	ssyncadd.s32 $0xFFFF8000  }
0x29: {  	[hbm4b:s20+s3] =	stream.linear.scatter [tilespmem:s14], [sflag:$0x4], $0x8000, $0x38;
	[tilespmem:$0x12240] =	vst v63  }
0x2a: {  	s21 =	sadd.s32 s21, s22  }
0x2b: {  	[tilespmem:s11], [sflag:$0x6] =	stream.linear.gather [hbm4b:s21+s3], $0x100, $0x38;
	[tilespmem:$0x12240] =	vst v63  }
0x2c: {  	_ =	swait.ge [sflag:s5], $0x100  }
0x2d: {  	[sflag:s5] =	ssyncset.done $0x0  }
0x2e: {  	s22 =	simm.s32 $0x4;
	[sflag:s5] =	ssyncadd.s32 $0xFFFFFF00  }
0x2f: {  	_ =	swait.ge [sflag:s22], $0x8000  }
0x30: {  	[sflag:s22] =	ssyncset.done $0x0  }
0x31: {  	[sflag:s22] =	ssyncadd.s32 $0xFFFF8000  }
0x32: {  	[tilespmem:s14], [sflag:$0x2] =	stream.indirect.gather [hbm4b:s10+s11], $0x80, s11, s11, $0xb8;
	[tilespmem:$0x12240] =	vst v63  }
0x33: {  	_ =	swait.ge [sflag:s15], $0x8000  }
0x34: {  	s23 =	sshll.u32 s23, $0x4;
	[sflag:s15] =	ssyncset.done $0x0  }
0x35: {  	s23 =	sadd.s32 s24, s23;
	[sflag:s15] =	ssyncadd.s32 $0xFFFF8000  }
0x36: {  	[hbm4b:s23+s3] =	stream.linear.scatter [tilespmem:s12], [sflag:$0x3], $0x8000, $0x38;
	[tilespmem:$0x12240] =	vst v63  }
0x37: {  	_ =	swait.ge [sflag:s19], $0x8000  }
0x38: {  	s29 =	sshll.u32 s29, $0x4;
	[sflag:s19] =	ssyncset.done $0x0  }
0x39: {  	s24 =	sadd.s32 s24, s29;
	[sflag:s19] =	ssyncadd.s32 $0xFFFF8000  }
0x3a: {  	[hbm4b:s24+s3] =	stream.linear.scatter [tilespmem:s14], [sflag:$0x4], $0x8000, $0x38;
	[tilespmem:$0x12240] =	vst v63  }
0x3b: {  	_ =	swait.ge [sflag:s18], $0x8000  }
0x3c: {  	[sflag:s18] =	ssyncset.done $0x0  }
0x3d: {  	s31 =	ssub.s32 $0x2, s25;
	[sflag:s18] =	ssyncadd.s32 $0xFFFF8000  }
0x3e: {  	s30 =	sshrl.u32 s31, $0x1;
	_ =	swait.ge [sflag:s22], $0x8000  }
0x3f: {  	s26 =	sadd.s32 s28, s26;
	s28 =	ssub.s32 s31, s30;
	[sflag:s22] =	ssyncset.done $0x0  }
0x40: {  	s25 =	simm.s32 $0x5;
	s28 =	smax.u32 s28, $0x1;
	[sflag:s22] =	ssyncadd.s32 $0xFFFF8000  }
0x41: {  	p0 =	sne.s32 s28, $0x1;
	_ =	swait.ge [sflag:s25], $0x2000  }
.Ltmp0:
0x42: {  	[sflag:s25] =	ssyncset.done $0x0;
	(pc) =	sbr.rel @!p0 .LBB2_2-.Ltmp0, $4  }
0x43: {  	s26 =	sadd.s32 $0x29C00, s26;
	[sflag:s25] =	ssyncadd.s32 $0xFFFFE000  }
0x44: {  	[hbm4b:s26+s3] =	stream.linear.scatter [tilespmem:s8], [sflag:$0x6], $0x2000, $0x38;
	[tilespmem:$0x12240] =	vst v63  }
0x45: {  	_ =	swait.ge [sflag:s5], $0x2000  }
0x46: {  	s28 =	sadd.s32 $0xFFFFFFFF, s28;
	[sflag:s5] =	ssyncset.done $0x0  }
.LBB2_1:
0x47: {  	p0 =	sne.s32 s28, $0x1;
	s28 =	sadd.s32 $0xFFFFFFFF, s28;
	[sflag:s5] =	ssyncadd.s32 $0xFFFFE000  }
0x48: {  	[tilespmem:s6], [sflag:$0x6] =	stream.linear.gather [hbm4b:s4+s3], $0x40, $0x38;
	[tilespmem:$0x12240] =	vst v63  }
0x49: {  	_ =	swait.ge [sflag:s5], $0x40  }
0x4a: {  	[sflag:s5] =	ssyncset.done $0x0  }
0x4b: {  	[sflag:s5] =	ssyncadd.s32 $0xFFFFFFC0  }
0x4c: {  	[tilespmem:s8], [sflag:$0x5] =	stream.indirect.gather [hbm4b:s2+s7], $0x80, s6, s7, $0xb8;
	[tilespmem:$0x12240] =	vst v63  }
0x4d: {  	_ = 	snop  }
0x4e: {  	[tilespmem:s3], [sflag:$0x6] =	stream.linear.gather [hbm4b:s9+s3], $0x100, $0x38;
	[tilespmem:$0x12240] =	vst v63  }
0x4f: {  	_ =	swait.ge [sflag:s5], $0x100  }
0x50: {  	[sflag:s5] =	ssyncset.done $0x0  }
0x51: {  	[sflag:s5] =	ssyncadd.s32 $0xFFFFFF00  }
0x52: {  	[tilespmem:s12], [sflag:$0x1] =	stream.indirect.gather [hbm4b:s10+s11], $0x80, s3, s11, $0xb8;
	[tilespmem:$0x12240] =	vst v63  }
0x53: {  	_ = 	snop  }
0x54: {  	[tilespmem:s11], [sflag:$0x6] =	stream.linear.gather [hbm4b:s13+s3], $0x100, $0x38;
	[tilespmem:$0x12240] =	vst v63  }
0x55: {  	_ =	swait.ge [sflag:s5], $0x100  }
0x56: {  	[sflag:s5] =	ssyncset.done $0x0  }
0x57: {  	[sflag:s5] =	ssyncadd.s32 $0xFFFFFF00  }
0x58: {  	[tilespmem:s14], [sflag:$0x2] =	stream.indirect.gather [hbm4b:s10+s11], $0x80, s11, s11, $0xb8;
	[tilespmem:$0x12240] =	vst v63  }
0x59: {  	_ =	swait.ge [sflag:s15], $0x8000  }
0x5a: {  	[sflag:s15] =	ssyncset.done $0x0  }
0x5b: {  	[sflag:s15] =	ssyncadd.s32 $0xFFFF8000  }
0x5c: {  	[hbm4b:s16+s3] =	stream.linear.scatter [tilespmem:s12], [sflag:$0x3], $0x8000, $0x38;
	[tilespmem:$0x12240] =	vst v63  }
0x5d: {  	_ = 	snop  }
0x5e: {  	[tilespmem:s3], [sflag:$0x6] =	stream.linear.gather [hbm4b:s17+s3], $0x100, $0x38;
	[tilespmem:$0x12240] =	vst v63  }
0x5f: {  	_ =	swait.ge [sflag:s5], $0x100  }
0x60: {  	[sflag:s5] =	ssyncset.done $0x0  }
0x61: {  	[sflag:s5] =	ssyncadd.s32 $0xFFFFFF00  }
0x62: {  	_ =	swait.ge [sflag:s18], $0x8000  }
0x63: {  	[sflag:s18] =	ssyncset.done $0x0  }
0x64: {  	[sflag:s18] =	ssyncadd.s32 $0xFFFF8000  }
0x65: {  	[tilespmem:s12], [sflag:$0x1] =	stream.indirect.gather [hbm4b:s10+s11], $0x80, s3, s11, $0xb8;
	[tilespmem:$0x12240] =	vst v63  }
0x66: {  	_ =	swait.ge [sflag:s19], $0x8000  }
0x67: {  	[sflag:s19] =	ssyncset.done $0x0  }
0x68: {  	[sflag:s19] =	ssyncadd.s32 $0xFFFF8000  }
0x69: {  	[hbm4b:s20+s3] =	stream.linear.scatter [tilespmem:s14], [sflag:$0x4], $0x8000, $0x38;
	[tilespmem:$0x12240] =	vst v63  }
0x6a: {  	_ = 	snop  }
0x6b: {  	[tilespmem:s11], [sflag:$0x6] =	stream.linear.gather [hbm4b:s21+s3], $0x100, $0x38;
	[tilespmem:$0x12240] =	vst v63  }
0x6c: {  	_ =	swait.ge [sflag:s5], $0x100  }
0x6d: {  	[sflag:s5] =	ssyncset.done $0x0  }
0x6e: {  	[sflag:s5] =	ssyncadd.s32 $0xFFFFFF00  }
0x6f: {  	_ =	swait.ge [sflag:s22], $0x8000  }
0x70: {  	[sflag:s22] =	ssyncset.done $0x0  }
0x71: {  	[sflag:s22] =	ssyncadd.s32 $0xFFFF8000  }
0x72: {  	[tilespmem:s14], [sflag:$0x2] =	stream.indirect.gather [hbm4b:s10+s11], $0x80, s11, s11, $0xb8;
	[tilespmem:$0x12240] =	vst v63  }
0x73: {  	_ =	swait.ge [sflag:s15], $0x8000  }
0x74: {  	[sflag:s15] =	ssyncset.done $0x0  }
0x75: {  	[sflag:s15] =	ssyncadd.s32 $0xFFFF8000  }
0x76: {  	[hbm4b:s23+s3] =	stream.linear.scatter [tilespmem:s12], [sflag:$0x3], $0x8000, $0x38;
	[tilespmem:$0x12240] =	vst v63  }
0x77: {  	_ =	swait.ge [sflag:s19], $0x8000  }
0x78: {  	[sflag:s19] =	ssyncset.done $0x0  }
0x79: {  	[sflag:s19] =	ssyncadd.s32 $0xFFFF8000  }
0x7a: {  	[hbm4b:s24+s3] =	stream.linear.scatter [tilespmem:s14], [sflag:$0x4], $0x8000, $0x38;
	[tilespmem:$0x12240] =	vst v63  }
0x7b: {  	_ =	swait.ge [sflag:s18], $0x8000  }
0x7c: {  	[sflag:s18] =	ssyncset.done $0x0  }
0x7d: {  	[sflag:s18] =	ssyncadd.s32 $0xFFFF8000  }
0x7e: {  	_ =	swait.ge [sflag:s22], $0x8000  }
0x7f: {  	[sflag:s22] =	ssyncset.done $0x0  }
0x80: {  	[sflag:s22] =	ssyncadd.s32 $0xFFFF8000  }
0x81: {  	_ =	swait.ge [sflag:s25], $0x2000  }
.Ltmp1:
0x82: {  	[sflag:s25] =	ssyncset.done $0x0;
	(pc) =	sbr.rel @p0 .LBB2_1-.Ltmp1, $4  }
0x83: {  	[sflag:s25] =	ssyncadd.s32 $0xFFFFE000  }
0x84: {  	[hbm4b:s26+s3] =	stream.linear.scatter [tilespmem:s8], [sflag:$0x6], $0x2000, $0x38;
	[tilespmem:$0x12240] =	vst v63  }
0x85: {  	_ =	swait.ge [sflag:s5], $0x2000  }
0x86: {  	[sflag:s5] =	ssyncset.done $0x0  }
.LBB2_2:
0x87: {  	[sflag:s5] =	ssyncadd.s32 $0xFFFFE000  }
0x88: {  	_ =	sfence.sel $0x180000  }
0x89: {  	[bflag:$0x0] =	sbarrier.arrive $0xFFFF  }
0x8a: {  	p0 =	sne.s32 s0, $0x0;
	_ =	strace $0x90000047  }
0x8b: {  	s0 =	sadd.s32 @!p0 $0x100000, s1;
	[bflag:$0x2] =	sbarrier.arrive $0xFFFF  }
0x8c: {  	[sflag:s0] =	ssyncadd.tile.s32 @!p0 $0x1;
	_ =	shalt  }
.Lfunc_end2:
_tile_overlayer_lowered:
.L_overlay_start_2:
0x8d: {  	(tag) =	ssettag $0x2  }
0x8e: {  	s0 =	rddreg [dreg:$0x0];
	s2 =	stileid.u32  }
0x8f: {  	s1 =	rddreg [dreg:$0x1];
	p0 =	sne.s32 s2, $0x0  }
0x90: {  	s3 =	rddreg [dreg:$0x2];
	[bflag:$0x3] =	sbarrier.arrive $0xFFFF;
	s2 =	simm.s32 @!p0 $0x1C06  }
0x91: {  	[timem:s3], [sflag:s2] =	dma.local @!p0 [hbm:s0], s1  }
0x92: {  	s0 =	simm.s32 @!p0 $0x6  }
0x93: {  	_ =	swait.ge @!p0 [sflag:s0], s1  }
0x94: {  	s1 =	ssub.s32 @!p0 $0x0, s1;
	[sflag:s0] =	ssyncset.done @!p0 $0x0  }
0x95: {  	[sflag:s0] =	ssyncadd.s32 @!p0 s1  }
0x96: {  	[bflag:$0x3] =	sbarrier.arrive $0xFFFF  }
0x97: {  	_ =	shalt  }

</sc_bundles>
